<compile_context>
chip_gen: v7x
topology: tpu7x:2x2x1
jax: 0.10.2.dev20260603
libtpu: 0.0.44.dev20260713+nightly
codegen_flags: <defaults>
</compile_context>

<pallas_src>
import functools

import jax
import jax.numpy as jnp
from jax import lax
from jax.experimental import pallas as pl
from jax.experimental.pallas import tpu as pltpu
from jax.experimental.pallas import tpu_sc as plsc

N = 10000
E = 320000
D_IN = 128
D_H = 128
D_OUT = 40
D_OUT_PAD = 48

NC = 2
NS = 16
NW = NC * NS
ROWS_PER_TILE = 640
N_PAD = NS * ROWS_PER_TILE
EDGES_PER_W = E // NW
CHUNK = 80
NCHUNK = EDGES_PER_W // CHUNK

R_BLK = 2048
GRID_R = 5




def _degree_body(edges_hbm, zeros_hbm, hs_out, hd_out, hist_s, hist_d,
                 sidx2, didx2):
    c = lax.axis_index("c")
    s = lax.axis_index("s")
    wid = c * NS + s
    pltpu.sync_copy(zeros_hbm, hist_s)
    pltpu.sync_copy(zeros_hbm, hist_d)
    pltpu.sync_copy(edges_hbm.at[0, wid], sidx2)
    pltpu.sync_copy(edges_hbm.at[1, wid], didx2)
    ones = jnp.ones((16,), jnp.float32)

    def body(i, carry):
        for j in range(CHUNK // 16):
            si = sidx2[i, pl.ds(j * 16, 16)]
            di = didx2[i, pl.ds(j * 16, 16)]
            plsc.addupdate_scatter(hist_s, [si], ones)
            plsc.addupdate_scatter(hist_d, [di], ones)
        return carry

    lax.fori_loop(0, NCHUNK, body, 0)
    pltpu.sync_copy(hist_s, hs_out.at[wid])
    pltpu.sync_copy(hist_d, hd_out.at[wid])


def _degrees(edges3, zeros1d):
    k = pl.kernel(
        _degree_body,
        out_type=(
            jax.ShapeDtypeStruct((NW, N_PAD), jnp.float32),
            jax.ShapeDtypeStruct((NW, N_PAD), jnp.float32),
        ),
        mesh=plsc.VectorSubcoreMesh(core_axis_name="c", subcore_axis_name="s"),
        scratch_types=[
            pltpu.VMEM((N_PAD,), jnp.float32),
            pltpu.VMEM((N_PAD,), jnp.float32),
            pltpu.VMEM((NCHUNK, CHUNK), jnp.int32),
            pltpu.VMEM((NCHUNK, CHUNK), jnp.int32),
        ],
        compiler_params=pltpu.CompilerParams(needs_layout_passes=False),
    )
    return k(edges3, zeros1d)


def _prop_body(nbuf, xs_hbm, edges_hbm, zeros_hbm, parts_out,
               acc, sidxb, didxb, rows, isems, isemd, gsem, ssem):
    c = lax.axis_index("c")
    s = lax.axis_index("s")
    wid = c * NS + s
    def fetch_idx(j, b):
        pltpu.async_copy(edges_hbm.at[0, wid, j], sidxb.at[b], isems.at[b])
        pltpu.async_copy(edges_hbm.at[1, wid, j], didxb.at[b], isemd.at[b])

    def wait_idx(b):
        pltpu.make_async_copy(edges_hbm.at[0, wid, 0], sidxb.at[b],
                              isems.at[b]).wait()
        pltpu.make_async_copy(edges_hbm.at[1, wid, 0], didxb.at[b],
                              isemd.at[b]).wait()

    fetch_idx(0, 0)
    fetch_idx(1, 1)
    wait_idx(0)
    pltpu.async_copy(xs_hbm.at[sidxb.at[0]], rows.at[0], gsem.at[0])
    pltpu.sync_copy(zeros_hbm.at[0],
                    acc.at[pl.ds(s * ROWS_PER_TILE, ROWS_PER_TILE)])
    plsc.subcore_barrier()

    def body(i, carry):
        j2 = i + 2
        b2 = j2 % nbuf

        @pl.when(j2 < NCHUNK)
        def _():
            @pl.when(i >= nbuf - 2)
            def _():
                pltpu.make_async_copy(
                    rows.at[b2], acc.at[didxb.at[b2]], ssem.at[b2]).wait()
            fetch_idx(j2, b2)

        j1 = i + 1
        b1 = j1 % nbuf

        @pl.when(j1 < NCHUNK)
        def _():
            wait_idx(b1)
            pltpu.async_copy(xs_hbm.at[sidxb.at[b1]], rows.at[b1],
                             gsem.at[b1])

        b = i % nbuf
        pltpu.make_async_copy(xs_hbm.at[sidxb.at[b]], rows.at[b],
                              gsem.at[b]).wait()
        pltpu.async_copy(rows.at[b], acc.at[didxb.at[b]], ssem.at[b],
                         add=True)
        return carry

    lax.fori_loop(0, NCHUNK, body, 0)
    for b in range(nbuf):
        pltpu.make_async_copy(
            rows.at[b], acc.at[didxb.at[b]], ssem.at[b]).wait()
    plsc.subcore_barrier()
    pltpu.sync_copy(
        acc.at[pl.ds(s * ROWS_PER_TILE, ROWS_PER_TILE)],
        parts_out.at[c, pl.ds(s * ROWS_PER_TILE, ROWS_PER_TILE)],
    )


def _prop_body_staged(nbuf, xs_hbm, edges_hbm, zeros_hbm, parts_out,
                      acc, sidx2, didx2, rows, gsem, ssem):
    c = lax.axis_index("c")
    s = lax.axis_index("s")
    wid = c * NS + s
    pltpu.sync_copy(edges_hbm.at[0, wid], sidx2)
    pltpu.sync_copy(edges_hbm.at[1, wid], didx2)

    def gather(j, b):
        pltpu.async_copy(xs_hbm.at[sidx2.at[j]], rows.at[b], gsem.at[b])

    gather(0, 0)
    gather(1, 1)
    pltpu.sync_copy(zeros_hbm.at[0],
                    acc.at[pl.ds(s * ROWS_PER_TILE, ROWS_PER_TILE)])
    plsc.subcore_barrier()

    def body(i, carry):
        pre = i + 2
        bn = pre % nbuf

        @pl.when(pre < NCHUNK)
        def _():
            @pl.when(i >= nbuf - 2)
            def _():
                pltpu.make_async_copy(
                    rows.at[bn], acc.at[didx2.at[0]], ssem.at[bn]).wait()
            gather(pre, bn)

        b = i % nbuf
        pltpu.make_async_copy(xs_hbm.at[sidx2.at[0]], rows.at[b],
                              gsem.at[b]).wait()
        pltpu.async_copy(rows.at[b], acc.at[didx2.at[i]], ssem.at[b],
                         add=True)
        return carry

    lax.fori_loop(0, NCHUNK, body, 0)
    for b in range(nbuf):
        pltpu.make_async_copy(
            rows.at[b], acc.at[didx2.at[0]], ssem.at[b]).wait()
    plsc.subcore_barrier()
    pltpu.sync_copy(
        acc.at[pl.ds(s * ROWS_PER_TILE, ROWS_PER_TILE)],
        parts_out.at[c, pl.ds(s * ROWS_PER_TILE, ROWS_PER_TILE)],
    )


def _propagate(xs, edges, zeros2d, width):
    nbuf = 4
    if width == D_IN:
        body = functools.partial(_prop_body, nbuf)
        scratch = [
            pltpu.VMEM((nbuf, CHUNK), jnp.int32),
            pltpu.VMEM((nbuf, CHUNK), jnp.int32),
            pltpu.VMEM((nbuf, CHUNK, width), jnp.float32),
            pltpu.SemaphoreType.DMA((nbuf,)),
            pltpu.SemaphoreType.DMA((nbuf,)),
            pltpu.SemaphoreType.DMA((nbuf,)),
            pltpu.SemaphoreType.DMA((nbuf,)),
        ]
        use_tc_tiling = True
    else:
        body = functools.partial(_prop_body_staged, nbuf)
        scratch = [
            pltpu.VMEM((NCHUNK, CHUNK), jnp.int32),
            pltpu.VMEM((NCHUNK, CHUNK), jnp.int32),
            pltpu.VMEM((nbuf, CHUNK, width), jnp.float32),
            pltpu.SemaphoreType.DMA((nbuf,)),
            pltpu.SemaphoreType.DMA((nbuf,)),
        ]
        use_tc_tiling = False
    k = pl.kernel(
        body,
        out_type=jax.ShapeDtypeStruct((NC, N_PAD, width), jnp.float32),
        mesh=plsc.VectorSubcoreMesh(core_axis_name="c", subcore_axis_name="s"),
        scratch_types=[
            pltpu.VMEM_SHARED((N_PAD, width), jnp.float32),
            *scratch,
        ],
        compiler_params=pltpu.CompilerParams(
            needs_layout_passes=False,
            use_tc_tiling_on_sc=use_tc_tiling),
    )
    return k(xs, edges, zeros2d)




def _norm_from_hist(h_blk):
    deg = jnp.sum(h_blk, axis=0)
    return lax.rsqrt(jnp.maximum(deg, 1.0))


def _scale_body(x_ref, hs_ref, o_ref):
    ns = _norm_from_hist(hs_ref[...])
    o_ref[...] = x_ref[...] * ns[:, None]


def _scale_x(x, hs):
    return pl.pallas_call(
        _scale_body,
        grid=(GRID_R,),
        in_specs=[
            pl.BlockSpec((R_BLK, D_IN), lambda i: (i, 0)),
            pl.BlockSpec((NW, R_BLK), lambda i: (0, i)),
        ],
        out_specs=pl.BlockSpec((R_BLK, D_IN), lambda i: (i, 0)),
        out_shape=jax.ShapeDtypeStruct((N, D_IN), jnp.float32),
    )(x, hs)


def _dense1_body(p0_ref, p1_ref, hd_ref, hs_ref, w1_ref, b1_ref, w2_ref,
                 h1_ref, y2_ref):
    nd = _norm_from_hist(hd_ref[...])
    ns = _norm_from_hist(hs_ref[...])
    agg = (p0_ref[0] + p1_ref[0]) * nd[:, None]
    h1 = jnp.dot(agg, w1_ref[...], preferred_element_type=jnp.float32)
    h1 = jnp.maximum(h1 + b1_ref[...], 0.0)
    h1_ref[...] = h1
    y2_ref[...] = jnp.dot(h1 * ns[:, None], w2_ref[...],
                          preferred_element_type=jnp.float32)


def _dense1(parts, hd, hs, w1, b1, w2p):
    return pl.pallas_call(
        _dense1_body,
        grid=(GRID_R,),
        in_specs=[
            pl.BlockSpec((1, R_BLK, D_H), lambda i: (0, i, 0)),
            pl.BlockSpec((1, R_BLK, D_H), lambda i: (1, i, 0)),
            pl.BlockSpec((NW, R_BLK), lambda i: (0, i)),
            pl.BlockSpec((NW, R_BLK), lambda i: (0, i)),
            pl.BlockSpec((D_IN, D_H), lambda i: (0, 0)),
            pl.BlockSpec((1, D_H), lambda i: (0, 0)),
            pl.BlockSpec((D_H, D_OUT_PAD), lambda i: (0, 0)),
        ],
        out_specs=[
            pl.BlockSpec((R_BLK, D_H), lambda i: (i, 0)),
            pl.BlockSpec((R_BLK, D_OUT_PAD), lambda i: (i, 0)),
        ],
        out_shape=[
            jax.ShapeDtypeStruct((N, D_H), jnp.float32),
            jax.ShapeDtypeStruct((N, D_OUT_PAD), jnp.float32),
        ],
    )(parts, parts, hd, hs, w1, b1, w2p)


def _dense2_body(q0_ref, q1_ref, hd_ref, b2_ref, out_ref, h2_ref):
    nd = _norm_from_hist(hd_ref[...])
    h2 = (q0_ref[0] + q1_ref[0]) * nd[:, None] + b2_ref[...]
    col = lax.broadcasted_iota(jnp.int32, h2.shape, 1)
    valid = col < D_OUT
    neg = jnp.full_like(h2, -jnp.inf)
    mx = jnp.max(jnp.where(valid, h2, neg), axis=1, keepdims=True)
    ex = jnp.where(valid, jnp.exp(h2 - mx), 0.0)
    lse = jnp.log(jnp.sum(ex, axis=1, keepdims=True)) + mx
    out = h2 - lse
    h2_ref[...] = h2[:, :D_OUT]
    out_ref[...] = out[:, :D_OUT]


def _dense2(parts, hd, b2p):
    return pl.pallas_call(
        _dense2_body,
        grid=(GRID_R,),
        in_specs=[
            pl.BlockSpec((1, R_BLK, D_OUT_PAD), lambda i: (0, i, 0)),
            pl.BlockSpec((1, R_BLK, D_OUT_PAD), lambda i: (1, i, 0)),
            pl.BlockSpec((NW, R_BLK), lambda i: (0, i)),
            pl.BlockSpec((1, D_OUT_PAD), lambda i: (0, 0)),
        ],
        out_specs=[
            pl.BlockSpec((R_BLK, D_OUT), lambda i: (i, 0)),
            pl.BlockSpec((R_BLK, D_OUT), lambda i: (i, 0)),
        ],
        out_shape=[
            jax.ShapeDtypeStruct((N, D_OUT), jnp.float32),
            jax.ShapeDtypeStruct((N, D_OUT), jnp.float32),
        ],
    )(parts, parts, hd, b2p)




@jax.jit
def kernel(x, graph, W1, b1, W2, b2):
    edges3 = graph.reshape(2, NW, NCHUNK, CHUNK)

    zeros1d = jnp.zeros((N_PAD,), jnp.float32)
    zeros128 = jnp.zeros((1, ROWS_PER_TILE, D_IN), jnp.float32)
    zeros48 = jnp.zeros((1, ROWS_PER_TILE, D_OUT_PAD), jnp.float32)

    hs, hd = _degrees(edges3, zeros1d)

    xs = _scale_x(x, hs)

    parts1 = _propagate(xs, edges3, zeros128, D_IN)

    w2p = jnp.pad(W2, ((0, 0), (0, D_OUT_PAD - D_OUT)))
    b1r = b1.reshape(1, D_H)
    h1, y2 = _dense1(parts1, hd, hs, W1, b1r, w2p)

    parts2 = _propagate(y2, edges3, zeros48, D_OUT_PAD)

    b2p = jnp.pad(b2, (0, D_OUT_PAD - D_OUT)).reshape(1, D_OUT_PAD)
    out, h2 = _dense2(parts2, hd, b2p)

    return (out, h1, h2)

# --- scband reference (transcript-rebuilt; emitter-appended) ---
"""Pipeline reference for scband-gnn-62405874811790 (READ-ONLY COPY).

The authoritative reference and input builder live on the scoring server;
editing this copy changes nothing except your own understanding.
"""

import jax, jax.numpy as jnp
import numpy as np

N = 10000
E = 320000
D_IN = 128
D_H = 128
D_OUT = 40


def setup_inputs(seed: int = 0) -> dict:
    key = jax.random.key(seed)
    k1, k2, k3, k4 = jax.random.split(key, 4)
    x = jax.random.normal(k1, (N, D_IN), dtype=jnp.float32)
    edge_index = jax.random.randint(k2, (2, E), 0, N, dtype=jnp.int32)
    W1 = jax.random.normal(k3, (D_IN, D_H), dtype=jnp.float32) * (1.0 / np.sqrt(D_IN))
    b1 = jnp.zeros((D_H,), dtype=jnp.float32)
    W2 = jax.random.normal(k4, (D_H, D_OUT), dtype=jnp.float32) * (1.0 / np.sqrt(D_H))
    b2 = jnp.zeros((D_OUT,), dtype=jnp.float32)
    return {"x": x, "graph": edge_index, "W1": W1, "b1": b1, "W2": W2, "b2": b2}


def _gcn_layer(x, src, dst, W, b):
    # DGL GraphConv with norm='both': h = D_dst^{-1/2} A (D_src^{-1/2} x) W + b
    deg_in = jnp.clip(jnp.bincount(dst, length=N).astype(x.dtype), 1.0)
    deg_out = jnp.clip(jnp.bincount(src, length=N).astype(x.dtype), 1.0)
    norm_src = deg_out ** -0.5
    norm_dst = deg_in ** -0.5
    msg = x[src] * norm_src[src][:, None]                      # gather (SparseCore)
    agg = jnp.zeros((N, x.shape[1]), dtype=x.dtype).at[dst].add(msg)  # scatter-add
    h = agg * norm_dst[:, None]
    return h @ W + b


def reference(x, graph, W1, b1, W2, b2):
    src = graph[0]
    dst = graph[1]
    node_emb = []
    # block 0: gcn(128 -> 128) with relu activation
    h = _gcn_layer(x, src, dst, W1, b1)
    h = jax.nn.relu(h)
    node_emb.append(h)
    # block 1: gcn(128 -> 40), no activation (last layer must not be relu)
    h = _gcn_layer(h, src, dst, W2, b2)
    node_emb.append(h)
    out = jax.nn.log_softmax(h, axis=1)
    return (out, node_emb[0], node_emb[1])

if __name__ == "__main__":
    import jax
    _d = setup_inputs()
    print(jax.jit(kernel)(*tuple(_d.values())))

</pallas_src>

<mosaic_0001>
#map = affine_map<(d0, d1) -> (0, 0)>
#map1 = affine_map<(d0, d1) -> (0, 0, 0, 0)>
#map2 = affine_map<(d0, d1) -> (0, 0, 0)>
module attributes {stable_mosaic.version = 14 : i64} {
  func.func @_prop_body(%arg0: i32, %arg1: i32, %arg2: memref<10000x128xf32, #tpu.memory_space<hbm>>, %arg3: memref<2x32x125x80xi32, #tpu.memory_space<hbm>>, %arg4: memref<1x640x128xf32, #tpu.memory_space<hbm>>, %arg5: memref<2x10240x128xf32, #tpu.memory_space<hbm>>, %arg6: memref<10240x128xf32, #tpu.memory_space<vmem_shared>>, %arg7: memref<4x80xi32, #tpu.memory_space<vmem>>, %arg8: memref<4x80xi32, #tpu.memory_space<vmem>>, %arg9: memref<4x80x128xf32, #tpu.memory_space<vmem>>, %arg10: memref<4x!tpu.dma_semaphore, #tpu.memory_space<semaphore_mem>>, %arg11: memref<4x!tpu.dma_semaphore, #tpu.memory_space<semaphore_mem>>, %arg12: memref<4x!tpu.dma_semaphore, #tpu.memory_space<semaphore_mem>>, %arg13: memref<4x!tpu.dma_semaphore, #tpu.memory_space<semaphore_mem>>) attributes {dimension_semantics = [#tpu.dimension_semantics<core_parallel>, #tpu.dimension_semantics<subcore_parallel>], iteration_bounds = array<i64: 2, 16>, scalar_prefetch = 0 : i64, scratch_operands = 8 : i64, tpu.core_type = #tpu.core_type<sc_vector_subcore>, window_params = [{transform_indices = #map}, {transform_indices = #map1}, {transform_indices = #map2}, {transform_indices = #map2}]} {
    %mul3A = arith.constant 16 : i32
    %mul3A_0 = arith.muli %arg0, %mul3A : i32
    %add3A = arith.addi %mul3A_0, %arg1 : i32
    %dma_start3A = arith.constant 0 : i32
    %dma_start3A_1 = arith.constant 0 : i32
    %dma_start3A_2 = arith.constant 0 : i32
    %dma_start3A_3 = arith.constant 0 : i32
    %dma_start3A_4 = arith.constant 0 : i32
    %dma_start3A_5 = tpu.memref_slice %arg7[%dma_start3A_2, %dma_start3A_4] : memref<4x80xi32, #tpu.memory_space<vmem>> -> memref<1x80xi32, #tpu.memory_space<vmem>>
    %dma_start3A_6 = tpu.memref_squeeze %dma_start3A_5 : memref<1x80xi32, #tpu.memory_space<vmem>> -> memref<80xi32, #tpu.memory_space<vmem>>
    %dma_start3A_7 = arith.constant 0 : i32
    %dma_start3A_8 = tpu.memref_slice %arg3[%dma_start3A, %add3A, %dma_start3A_1, %dma_start3A_7] : memref<2x32x125x80xi32, #tpu.memory_space<hbm>> -> memref<1x1x1x80xi32, #tpu.memory_space<hbm>>
    %dma_start3A_9 = tpu.memref_squeeze %dma_start3A_8 : memref<1x1x1x80xi32, #tpu.memory_space<hbm>> -> memref<80xi32, #tpu.memory_space<hbm>>
    %dma_start3A_10 = tpu.memref_slice %arg10[%dma_start3A_3] : memref<4x!tpu.dma_semaphore, #tpu.memory_space<semaphore_mem>> -> memref<1x!tpu.dma_semaphore, #tpu.memory_space<semaphore_mem>>
    %dma_start3A_11 = tpu.memref_squeeze %dma_start3A_10 : memref<1x!tpu.dma_semaphore, #tpu.memory_space<semaphore_mem>> -> memref<!tpu.dma_semaphore, #tpu.memory_space<semaphore_mem>>
    %dma_start3A_12 = arith.constant 0 : i32
    %dma_start3A_13 = tpu.memref_slice %arg7[%dma_start3A_2, %dma_start3A_12] : memref<4x80xi32, #tpu.memory_space<vmem>> -> memref<1x80xi32, #tpu.memory_space<vmem>>
    %dma_start3A_14 = tpu.memref_squeeze %dma_start3A_13 : memref<1x80xi32, #tpu.memory_space<vmem>> -> memref<80xi32, #tpu.memory_space<vmem>>
    %dma_start3A_15 = arith.constant 0 : i32
    %dma_start3A_16 = tpu.memref_slice %arg3[%dma_start3A, %add3A, %dma_start3A_1, %dma_start3A_15] : memref<2x32x125x80xi32, #tpu.memory_space<hbm>> -> memref<1x1x1x80xi32, #tpu.memory_space<hbm>>
    %dma_start3A_17 = tpu.memref_squeeze %dma_start3A_16 : memref<1x1x1x80xi32, #tpu.memory_space<hbm>> -> memref<80xi32, #tpu.memory_space<hbm>>
    tpu.enqueue_dma source(%dma_start3A_17 : memref<80xi32, #tpu.memory_space<hbm>>) target(%dma_start3A_14 : memref<80xi32, #tpu.memory_space<vmem>>) target_semaphore(%dma_start3A_11 : memref<!tpu.dma_semaphore, #tpu.memory_space<semaphore_mem>>)
    %dma_start3A_18 = arith.constant 1 : i32
    %dma_start3A_19 = arith.constant 0 : i32
    %dma_start3A_20 = arith.constant 0 : i32
    %dma_start3A_21 = arith.constant 0 : i32
    %dma_start3A_22 = arith.constant 0 : i32
    %dma_start3A_23 = tpu.memref_slice %arg8[%dma_start3A_20, %dma_start3A_22] : memref<4x80xi32, #tpu.memory_space<vmem>> -> memref<1x80xi32, #tpu.memory_space<vmem>>
    %dma_start3A_24 = tpu.memref_squeeze %dma_start3A_23 : memref<1x80xi32, #tpu.memory_space<vmem>> -> memref<80xi32, #tpu.memory_space<vmem>>
    %dma_start3A_25 = arith.constant 0 : i32
    %dma_start3A_26 = tpu.memref_slice %arg3[%dma_start3A_18, %add3A, %dma_start3A_19, %dma_start3A_25] : memref<2x32x125x80xi32, #tpu.memory_space<hbm>> -> memref<1x1x1x80xi32, #tpu.memory_space<hbm>>
    %dma_start3A_27 = tpu.memref_squeeze %dma_start3A_26 : memref<1x1x1x80xi32, #tpu.memory_space<hbm>> -> memref<80xi32, #tpu.memory_space<hbm>>
    %dma_start3A_28 = tpu.memref_slice %arg11[%dma_start3A_21] : memref<4x!tpu.dma_semaphore, #tpu.memory_space<semaphore_mem>> -> memref<1x!tpu.dma_semaphore, #tpu.memory_space<semaphore_mem>>
    %dma_start3A_29 = tpu.memref_squeeze %dma_start3A_28 : memref<1x!tpu.dma_semaphore, #tpu.memory_space<semaphore_mem>> -> memref<!tpu.dma_semaphore, #tpu.memory_space<semaphore_mem>>
    %dma_start3A_30 = arith.constant 0 : i32
    %dma_start3A_31 = tpu.memref_slice %arg8[%dma_start3A_20, %dma_start3A_30] : memref<4x80xi32, #tpu.memory_space<vmem>> -> memref<1x80xi32, #tpu.memory_space<vmem>>
    %dma_start3A_32 = tpu.memref_squeeze %dma_start3A_31 : memref<1x80xi32, #tpu.memory_space<vmem>> -> memref<80xi32, #tpu.memory_space<vmem>>
    %dma_start3A_33 = arith.constant 0 : i32
    %dma_start3A_34 = tpu.memref_slice %arg3[%dma_start3A_18, %add3A, %dma_start3A_19, %dma_start3A_33] : memref<2x32x125x80xi32, #tpu.memory_space<hbm>> -> memref<1x1x1x80xi32, #tpu.memory_space<hbm>>
    %dma_start3A_35 = tpu.memref_squeeze %dma_start3A_34 : memref<1x1x1x80xi32, #tpu.memory_space<hbm>> -> memref<80xi32, #tpu.memory_space<hbm>>
    tpu.enqueue_dma source(%dma_start3A_35 : memref<80xi32, #tpu.memory_space<hbm>>) target(%dma_start3A_32 : memref<80xi32, #tpu.memory_space<vmem>>) target_semaphore(%dma_start3A_29 : memref<!tpu.dma_semaphore, #tpu.memory_space<semaphore_mem>>)
    %dma_start3A_36 = arith.constant 0 : i32
    %dma_start3A_37 = arith.constant 1 : i32
    %dma_start3A_38 = arith.constant 1 : i32
    %dma_start3A_39 = arith.constant 1 : i32
    %dma_start3A_40 = arith.constant 0 : i32
    %dma_start3A_41 = tpu.memref_slice %arg7[%dma_start3A_38, %dma_start3A_40] : memref<4x80xi32, #tpu.memory_space<vmem>> -> memref<1x80xi32, #tpu.memory_space<vmem>>
    %dma_start3A_42 = tpu.memref_squeeze %dma_start3A_41 : memref<1x80xi32, #tpu.memory_space<vmem>> -> memref<80xi32, #tpu.memory_space<vmem>>
    %dma_start3A_43 = arith.constant 0 : i32
    %dma_start3A_44 = tpu.memref_slice %arg3[%dma_start3A_36, %add3A, %dma_start3A_37, %dma_start3A_43] : memref<2x32x125x80xi32, #tpu.memory_space<hbm>> -> memref<1x1x1x80xi32, #tpu.memory_space<hbm>>
    %dma_start3A_45 = tpu.memref_squeeze %dma_start3A_44 : memref<1x1x1x80xi32, #tpu.memory_space<hbm>> -> memref<80xi32, #tpu.memory_space<hbm>>
    %dma_start3A_46 = tpu.memref_slice %arg10[%dma_start3A_39] : memref<4x!tpu.dma_semaphore, #tpu.memory_space<semaphore_mem>> -> memref<1x!tpu.dma_semaphore, #tpu.memory_space<semaphore_mem>>
    %dma_start3A_47 = tpu.memref_squeeze %dma_start3A_46 : memref<1x!tpu.dma_semaphore, #tpu.memory_space<semaphore_mem>> -> memref<!tpu.dma_semaphore, #tpu.memory_space<semaphore_mem>>
    %dma_start3A_48 = arith.constant 0 : i32
    %dma_start3A_49 = tpu.memref_slice %arg7[%dma_start3A_38, %dma_start3A_48] : memref<4x80xi32, #tpu.memory_space<vmem>> -> memref<1x80xi32, #tpu.memory_space<vmem>>
    %dma_start3A_50 = tpu.memref_squeeze %dma_start3A_49 : memref<1x80xi32, #tpu.memory_space<vmem>> -> memref<80xi32, #tpu.memory_space<vmem>>
    %dma_start3A_51 = arith.constant 0 : i32
    %dma_start3A_52 = tpu.memref_slice %arg3[%dma_start3A_36, %add3A, %dma_start3A_37, %dma_start3A_51] : memref<2x32x125x80xi32, #tpu.memory_space<hbm>> -> memref<1x1x1x80xi32, #tpu.memory_space<hbm>>
    %dma_start3A_53 = tpu.memref_squeeze %dma_start3A_52 : memref<1x1x1x80xi32, #tpu.memory_space<hbm>> -> memref<80xi32, #tpu.memory_space<hbm>>
    tpu.enqueue_dma source(%dma_start3A_53 : memref<80xi32, #tpu.memory_space<hbm>>) target(%dma_start3A_50 : memref<80xi32, #tpu.memory_space<vmem>>) target_semaphore(%dma_start3A_47 : memref<!tpu.dma_semaphore, #tpu.memory_space<semaphore_mem>>)
    %dma_start3A_54 = arith.constant 1 : i32
    %dma_start3A_55 = arith.constant 1 : i32
    %dma_start3A_56 = arith.constant 1 : i32
    %dma_start3A_57 = arith.constant 1 : i32
    %dma_start3A_58 = arith.constant 0 : i32
    %dma_start3A_59 = tpu.memref_slice %arg8[%dma_start3A_56, %dma_start3A_58] : memref<4x80xi32, #tpu.memory_space<vmem>> -> memref<1x80xi32, #tpu.memory_space<vmem>>
    %dma_start3A_60 = tpu.memref_squeeze %dma_start3A_59 : memref<1x80xi32, #tpu.memory_space<vmem>> -> memref<80xi32, #tpu.memory_space<vmem>>
    %dma_start3A_61 = arith.constant 0 : i32
    %dma_start3A_62 = tpu.memref_slice %arg3[%dma_start3A_54, %add3A, %dma_start3A_55, %dma_start3A_61] : memref<2x32x125x80xi32, #tpu.memory_space<hbm>> -> memref<1x1x1x80xi32, #tpu.memory_space<hbm>>
    %dma_start3A_63 = tpu.memref_squeeze %dma_start3A_62 : memref<1x1x1x80xi32, #tpu.memory_space<hbm>> -> memref<80xi32, #tpu.memory_space<hbm>>
    %dma_start3A_64 = tpu.memref_slice %arg11[%dma_start3A_57] : memref<4x!tpu.dma_semaphore, #tpu.memory_space<semaphore_mem>> -> memref<1x!tpu.dma_semaphore, #tpu.memory_space<semaphore_mem>>
    %dma_start3A_65 = tpu.memref_squeeze %dma_start3A_64 : memref<1x!tpu.dma_semaphore, #tpu.memory_space<semaphore_mem>> -> memref<!tpu.dma_semaphore, #tpu.memory_space<semaphore_mem>>
    %dma_start3A_66 = arith.constant 0 : i32
    %dma_start3A_67 = tpu.memref_slice %arg8[%dma_start3A_56, %dma_start3A_66] : memref<4x80xi32, #tpu.memory_space<vmem>> -> memref<1x80xi32, #tpu.memory_space<vmem>>
    %dma_start3A_68 = tpu.memref_squeeze %dma_start3A_67 : memref<1x80xi32, #tpu.memory_space<vmem>> -> memref<80xi32, #tpu.memory_space<vmem>>
    %dma_start3A_69 = arith.constant 0 : i32
    %dma_start3A_70 = tpu.memref_slice %arg3[%dma_start3A_54, %add3A, %dma_start3A_55, %dma_start3A_69] : memref<2x32x125x80xi32, #tpu.memory_space<hbm>> -> memref<1x1x1x80xi32, #tpu.memory_space<hbm>>
    %dma_start3A_71 = tpu.memref_squeeze %dma_start3A_70 : memref<1x1x1x80xi32, #tpu.memory_space<hbm>> -> memref<80xi32, #tpu.memory_space<hbm>>
    tpu.enqueue_dma source(%dma_start3A_71 : memref<80xi32, #tpu.memory_space<hbm>>) target(%dma_start3A_68 : memref<80xi32, #tpu.memory_space<vmem>>) target_semaphore(%dma_start3A_65 : memref<!tpu.dma_semaphore, #tpu.memory_space<semaphore_mem>>)
    %dma_wait3A = arith.constant 0 : i32
    %dma_wait3A_72 = arith.constant 0 : i32
    %dma_wait3A_73 = arith.constant 0 : i32
    %dma_wait3A_74 = arith.constant 0 : i32
    %dma_wait3A_75 = arith.constant 0 : i32
    %dma_wait3A_76 = tpu.memref_slice %arg7[%dma_wait3A_73, %dma_wait3A_75] : memref<4x80xi32, #tpu.memory_space<vmem>> -> memref<1x80xi32, #tpu.memory_space<vmem>>
    %dma_wait3A_77 = tpu.memref_squeeze %dma_wait3A_76 : memref<1x80xi32, #tpu.memory_space<vmem>> -> memref<80xi32, #tpu.memory_space<vmem>>
    %dma_wait3A_78 = arith.constant 0 : i32
    %dma_wait3A_79 = tpu.memref_slice %arg3[%dma_wait3A, %add3A, %dma_wait3A_72, %dma_wait3A_78] : memref<2x32x125x80xi32, #tpu.memory_space<hbm>> -> memref<1x1x1x80xi32, #tpu.memory_space<hbm>>
    %dma_wait3A_80 = tpu.memref_squeeze %dma_wait3A_79 : memref<1x1x1x80xi32, #tpu.memory_space<hbm>> -> memref<80xi32, #tpu.memory_space<hbm>>
    %dma_wait3A_81 = tpu.memref_slice %arg10[%dma_wait3A_74] : memref<4x!tpu.dma_semaphore, #tpu.memory_space<semaphore_mem>> -> memref<1x!tpu.dma_semaphore, #tpu.memory_space<semaphore_mem>>
    %dma_wait3A_82 = tpu.memref_squeeze %dma_wait3A_81 : memref<1x!tpu.dma_semaphore, #tpu.memory_space<semaphore_mem>> -> memref<!tpu.dma_semaphore, #tpu.memory_space<semaphore_mem>>
    %dma_wait3A_83 = arith.constant 0 : i32
    %dma_wait3A_84 = tpu.memref_slice %arg7[%dma_wait3A_73, %dma_wait3A_83] : memref<4x80xi32, #tpu.memory_space<vmem>> -> memref<1x80xi32, #tpu.memory_space<vmem>>
    %dma_wait3A_85 = tpu.memref_squeeze %dma_wait3A_84 : memref<1x80xi32, #tpu.memory_space<vmem>> -> memref<80xi32, #tpu.memory_space<vmem>>
    %dma_wait3A_86 = arith.constant 0 : i32
    %dma_wait3A_87 = tpu.memref_slice %arg3[%dma_wait3A, %add3A, %dma_wait3A_72, %dma_wait3A_86] : memref<2x32x125x80xi32, #tpu.memory_space<hbm>> -> memref<1x1x1x80xi32, #tpu.memory_space<hbm>>
    %dma_wait3A_88 = tpu.memref_squeeze %dma_wait3A_87 : memref<1x1x1x80xi32, #tpu.memory_space<hbm>> -> memref<80xi32, #tpu.memory_space<hbm>>
    tpu.wait_dma2 semaphore(%dma_wait3A_82 : memref<!tpu.dma_semaphore, #tpu.memory_space<semaphore_mem>>) src(%dma_wait3A_88 : memref<80xi32, #tpu.memory_space<hbm>>) dst(%dma_wait3A_85 : memref<80xi32, #tpu.memory_space<vmem>>)
    %dma_wait3A_89 = arith.constant 1 : i32
    %dma_wait3A_90 = arith.constant 0 : i32
    %dma_wait3A_91 = arith.constant 0 : i32
    %dma_wait3A_92 = arith.constant 0 : i32
    %dma_wait3A_93 = arith.constant 0 : i32
    %dma_wait3A_94 = tpu.memref_slice %arg8[%dma_wait3A_91, %dma_wait3A_93] : memref<4x80xi32, #tpu.memory_space<vmem>> -> memref<1x80xi32, #tpu.memory_space<vmem>>
    %dma_wait3A_95 = tpu.memref_squeeze %dma_wait3A_94 : memref<1x80xi32, #tpu.memory_space<vmem>> -> memref<80xi32, #tpu.memory_space<vmem>>
    %dma_wait3A_96 = arith.constant 0 : i32
    %dma_wait3A_97 = tpu.memref_slice %arg3[%dma_wait3A_89, %add3A, %dma_wait3A_90, %dma_wait3A_96] : memref<2x32x125x80xi32, #tpu.memory_space<hbm>> -> memref<1x1x1x80xi32, #tpu.memory_space<hbm>>
    %dma_wait3A_98 = tpu.memref_squeeze %dma_wait3A_97 : memref<1x1x1x80xi32, #tpu.memory_space<hbm>> -> memref<80xi32, #tpu.memory_space<hbm>>
    %dma_wait3A_99 = tpu.memref_slice %arg11[%dma_wait3A_92] : memref<4x!tpu.dma_semaphore, #tpu.memory_space<semaphore_mem>> -> memref<1x!tpu.dma_semaphore, #tpu.memory_space<semaphore_mem>>
    %dma_wait3A_100 = tpu.memref_squeeze %dma_wait3A_99 : memref<1x!tpu.dma_semaphore, #tpu.memory_space<semaphore_mem>> -> memref<!tpu.dma_semaphore, #tpu.memory_space<semaphore_mem>>
    %dma_wait3A_101 = arith.constant 0 : i32
    %dma_wait3A_102 = tpu.memref_slice %arg8[%dma_wait3A_91, %dma_wait3A_101] : memref<4x80xi32, #tpu.memory_space<vmem>> -> memref<1x80xi32, #tpu.memory_space<vmem>>
    %dma_wait3A_103 = tpu.memref_squeeze %dma_wait3A_102 : memref<1x80xi32, #tpu.memory_space<vmem>> -> memref<80xi32, #tpu.memory_space<vmem>>
    %dma_wait3A_104 = arith.constant 0 : i32
    %dma_wait3A_105 = tpu.memref_slice %arg3[%dma_wait3A_89, %add3A, %dma_wait3A_90, %dma_wait3A_104] : memref<2x32x125x80xi32, #tpu.memory_space<hbm>> -> memref<1x1x1x80xi32, #tpu.memory_space<hbm>>
    %dma_wait3A_106 = tpu.memref_squeeze %dma_wait3A_105 : memref<1x1x1x80xi32, #tpu.memory_space<hbm>> -> memref<80xi32, #tpu.memory_space<hbm>>
    tpu.wait_dma2 semaphore(%dma_wait3A_100 : memref<!tpu.dma_semaphore, #tpu.memory_space<semaphore_mem>>) src(%dma_wait3A_106 : memref<80xi32, #tpu.memory_space<hbm>>) dst(%dma_wait3A_103 : memref<80xi32, #tpu.memory_space<vmem>>)
    %dma_start3A_107 = arith.constant 0 : i32
    %dma_start3A_108 = arith.constant 0 : i32
    %dma_start3A_109 = arith.constant 0 : i32
    %dma_start3A_110 = arith.constant 0 : i32
    %dma_start3A_111 = arith.constant 0 : i32
    %dma_start3A_112 = tpu.memref_slice %arg9[%dma_start3A_108, %dma_start3A_110, %dma_start3A_111] : memref<4x80x128xf32, #tpu.memory_space<vmem>> -> memref<1x80x128xf32, #tpu.memory_space<vmem>>
    %dma_start3A_113 = tpu.memref_squeeze %dma_start3A_112 : memref<1x80x128xf32, #tpu.memory_space<vmem>> -> memref<80x128xf32, #tpu.memory_space<vmem>>
    %dma_start3A_114 = arith.constant 0 : i32
    %dma_start3A_115 = tpu.memref_slice %arg7[%dma_start3A_107, %dma_start3A_114] : memref<4x80xi32, #tpu.memory_space<vmem>> -> memref<1x80xi32, #tpu.memory_space<vmem>>
    %dma_start3A_116 = tpu.memref_squeeze %dma_start3A_115 : memref<1x80xi32, #tpu.memory_space<vmem>> -> memref<80xi32, #tpu.memory_space<vmem>>
    %dma_start3A_117 = arith.constant 0 : i32
    %dma_start3A_118 = arith.constant 0 : i32
    %dma_start3A_119 = tpu.memref_slice %arg2[%dma_start3A_117, %dma_start3A_118] : memref<10000x128xf32, #tpu.memory_space<hbm>> -> memref<10000x128xf32, #tpu.memory_space<hbm>>
    %dma_start3A_120 = tpu.memref_slice %arg12[%dma_start3A_109] : memref<4x!tpu.dma_semaphore, #tpu.memory_space<semaphore_mem>> -> memref<1x!tpu.dma_semaphore, #tpu.memory_space<semaphore_mem>>
    %dma_start3A_121 = tpu.memref_squeeze %dma_start3A_120 : memref<1x!tpu.dma_semaphore, #tpu.memory_space<semaphore_mem>> -> memref<!tpu.dma_semaphore, #tpu.memory_space<semaphore_mem>>
    tpu.enqueue_indirect_dma source(%dma_start3A_119 : memref<10000x128xf32, #tpu.memory_space<hbm>>) target(%dma_start3A_113 : memref<80x128xf32, #tpu.memory_space<vmem>>) offsets(%dma_start3A_116 : memref<80xi32, #tpu.memory_space<vmem>>) semaphore(%dma_start3A_121 : memref<!tpu.dma_semaphore, #tpu.memory_space<semaphore_mem>>)
    %mul3A_122 = arith.constant 640 : i32
    %mul3A_123 = arith.muli %arg1, %mul3A_122 : i32
    %run_scoped3A = arith.constant 0 : i32
    "tpu.region"() ({
      %run_scoped3A_194 = tpu.sem_alloc : memref<!tpu.dma_semaphore, #tpu.memory_space<semaphore_mem>>
      %dma_start3A_195 = arith.constant 0 : i32
      %dma_start3A_196 = tpu.memref_slice %arg6[%mul3A_123, %dma_start3A_195] : memref<10240x128xf32, #tpu.memory_space<vmem_shared>> -> memref<640x128xf32, #tpu.memory_space<vmem_shared>>
      %dma_start3A_197 = arith.constant 0 : i32
      %dma_start3A_198 = arith.constant 0 : i32
      %dma_start3A_199 = tpu.memref_slice %arg4[%run_scoped3A, %dma_start3A_197, %dma_start3A_198] : memref<1x640x128xf32, #tpu.memory_space<hbm>> -> memref<1x640x128xf32, #tpu.memory_space<hbm>>
      %dma_start3A_200 = tpu.memref_squeeze %dma_start3A_199 : memref<1x640x128xf32, #tpu.memory_space<hbm>> -> memref<640x128xf32, #tpu.memory_space<hbm>>
      tpu.enqueue_dma source(%dma_start3A_200 : memref<640x128xf32, #tpu.memory_space<hbm>>) target(%dma_start3A_196 : memref<640x128xf32, #tpu.memory_space<vmem_shared>>) target_semaphore(%run_scoped3A_194 : memref<!tpu.dma_semaphore, #tpu.memory_space<semaphore_mem>>)
      %dma_wait3A_201 = arith.constant 0 : i32
      %dma_wait3A_202 = tpu.memref_slice %arg6[%mul3A_123, %dma_wait3A_201] : memref<10240x128xf32, #tpu.memory_space<vmem_shared>> -> memref<640x128xf32, #tpu.memory_space<vmem_shared>>
      %dma_wait3A_203 = arith.constant 0 : i32
      %dma_wait3A_204 = arith.constant 0 : i32
      %dma_wait3A_205 = tpu.memref_slice %arg4[%run_scoped3A, %dma_wait3A_203, %dma_wait3A_204] : memref<1x640x128xf32, #tpu.memory_space<hbm>> -> memref<1x640x128xf32, #tpu.memory_space<hbm>>
      %dma_wait3A_206 = tpu.memref_squeeze %dma_wait3A_205 : memref<1x640x128xf32, #tpu.memory_space<hbm>> -> memref<640x128xf32, #tpu.memory_space<hbm>>
      tpu.wait_dma2 semaphore(%run_scoped3A_194 : memref<!tpu.dma_semaphore, #tpu.memory_space<semaphore_mem>>) src(%dma_wait3A_206 : memref<640x128xf32, #tpu.memory_space<hbm>>) dst(%dma_wait3A_202 : memref<640x128xf32, #tpu.memory_space<vmem_shared>>)
      tpu.yield
    }) : () -> ()
    %barrier3A = arith.constant 0 : index
    tpu.barrier barrier_id(%barrier3A)
    %scan3A = arith.constant 0 : i32
    %scan3A_124 = arith.constant 0 : i32
    %scan3A_125 = arith.constant 125 : i32
    %scan3A_126 = arith.addi %scan3A_124, %scan3A_125 : i32
    %scan3A_127 = arith.constant 1 : i32
    scf.for %scan3A_194 = %scan3A_124 to %scan3A_126 step %scan3A_127  : i32 {
      %add3A_195 = arith.constant 2 : i32
      %add3A_196 = arith.addi %scan3A_194, %add3A_195 : i32
      %jit3A = arith.constant 4 : i32
      %eq3A = arith.constant 0 : i32
      %eq3A_197 = arith.cmpi eq, %jit3A, %eq3A : i32
      %jit3A_198 = arith.constant 1 : i32
      %select_n3A = arith.select %eq3A_197, %jit3A_198, %jit3A : i32
      %rem3A = arith.remsi %add3A_196, %select_n3A : i32
      %ne3A = arith.constant 0 : i32
      %ne3A_199 = arith.cmpi ne, %rem3A, %ne3A : i32
      %lt3A = arith.constant 0 : i32
      %lt3A_200 = arith.cmpi slt, %rem3A, %lt3A : i32
      %lt3A_201 = arith.constant 0 : i32
      %lt3A_202 = arith.cmpi slt, %select_n3A, %lt3A_201 : i32
      %ne3A_203 = arith.xori %lt3A_200, %lt3A_202 : i1
      %and3A = arith.andi %ne3A_203, %ne3A_199 : i1
      %add3A_204 = arith.addi %rem3A, %select_n3A : i32
      %select_n3A_205 = arith.select %and3A, %add3A_204, %rem3A : i32
      %lt3A_206 = arith.constant 125 : i32
      %lt3A_207 = arith.cmpi slt, %add3A_196, %lt3A_206 : i32
      %convert_element_type3A = arith.extui %lt3A_207 : i1 to i32
      %cond3A = arith.constant 0 : i32
      %cond3A_208 = arith.cmpi ne, %convert_element_type3A, %cond3A : i32
      scf.if %cond3A_208 {
        %ge3A = arith.constant 2 : i32
        %ge3A_272 = arith.cmpi sge, %scan3A_194, %ge3A : i32
        %convert_element_type3A_273 = arith.extui %ge3A_272 : i1 to i32
        %cond3A_274 = arith.constant 0 : i32
        %cond3A_275 = arith.cmpi ne, %convert_element_type3A_273, %cond3A_274 : i32
        scf.if %cond3A_275 {
          %dma_wait3A_306 = arith.constant 0 : i32
          %dma_wait3A_307 = arith.constant 0 : i32
          %dma_wait3A_308 = tpu.memref_slice %arg9[%select_n3A_205, %dma_wait3A_306, %dma_wait3A_307] : memref<4x80x128xf32, #tpu.memory_space<vmem>> -> memref<1x80x128xf32, #tpu.memory_space<vmem>>
          %dma_wait3A_309 = tpu.memref_squeeze %dma_wait3A_308 : memref<1x80x128xf32, #tpu.memory_space<vmem>> -> memref<80x128xf32, #tpu.memory_space<vmem>>
          %dma_wait3A_310 = arith.constant 0 : i32
          %dma_wait3A_311 = tpu.memref_slice %arg8[%select_n3A_205, %dma_wait3A_310] : memref<4x80xi32, #tpu.memory_space<vmem>> -> memref<1x80xi32, #tpu.memory_space<vmem>>
          %dma_wait3A_312 = tpu.memref_squeeze %dma_wait3A_311 : memref<1x80xi32, #tpu.memory_space<vmem>> -> memref<80xi32, #tpu.memory_space<vmem>>
          %dma_wait3A_313 = arith.constant 0 : i32
          %dma_wait3A_314 = arith.constant 0 : i32
          %dma_wait3A_315 = tpu.memref_slice %arg6[%dma_wait3A_313, %dma_wait3A_314] : memref<10240x128xf32, #tpu.memory_space<vmem_shared>> -> memref<10240x128xf32, #tpu.memory_space<vmem_shared>>
          %dma_wait3A_316 = tpu.memref_slice %arg13[%select_n3A_205] : memref<4x!tpu.dma_semaphore, #tpu.memory_space<semaphore_mem>> -> memref<1x!tpu.dma_semaphore, #tpu.memory_space<semaphore_mem>>
          %dma_wait3A_317 = tpu.memref_squeeze %dma_wait3A_316 : memref<1x!tpu.dma_semaphore, #tpu.memory_space<semaphore_mem>> -> memref<!tpu.dma_semaphore, #tpu.memory_space<semaphore_mem>>
          tpu.wait_indirect_dma semaphore(%dma_wait3A_317 : memref<!tpu.dma_semaphore, #tpu.memory_space<semaphore_mem>>) src(%dma_wait3A_309 : memref<80x128xf32, #tpu.memory_space<vmem>>) dst(%dma_wait3A_315 : memref<10240x128xf32, #tpu.memory_space<vmem_shared>>)
        } else {
        }
        %dma_start3A_276 = arith.constant 0 : i32
        %dma_start3A_277 = arith.constant 0 : i32
        %dma_start3A_278 = tpu.memref_slice %arg7[%select_n3A_205, %dma_start3A_277] : memref<4x80xi32, #tpu.memory_space<vmem>> -> memref<1x80xi32, #tpu.memory_space<vmem>>
        %dma_start3A_279 = tpu.memref_squeeze %dma_start3A_278 : memref<1x80xi32, #tpu.memory_space<vmem>> -> memref<80xi32, #tpu.memory_space<vmem>>
        %dma_start3A_280 = arith.constant 0 : i32
        %dma_start3A_281 = tpu.memref_slice %arg3[%dma_start3A_276, %add3A, %add3A_196, %dma_start3A_280] : memref<2x32x125x80xi32, #tpu.memory_space<hbm>> -> memref<1x1x1x80xi32, #tpu.memory_space<hbm>>
        %dma_start3A_282 = tpu.memref_squeeze %dma_start3A_281 : memref<1x1x1x80xi32, #tpu.memory_space<hbm>> -> memref<80xi32, #tpu.memory_space<hbm>>
        %dma_start3A_283 = tpu.memref_slice %arg10[%select_n3A_205] : memref<4x!tpu.dma_semaphore, #tpu.memory_space<semaphore_mem>> -> memref<1x!tpu.dma_semaphore, #tpu.memory_space<semaphore_mem>>
        %dma_start3A_284 = tpu.memref_squeeze %dma_start3A_283 : memref<1x!tpu.dma_semaphore, #tpu.memory_space<semaphore_mem>> -> memref<!tpu.dma_semaphore, #tpu.memory_space<semaphore_mem>>
        %dma_start3A_285 = arith.constant 0 : i32
        %dma_start3A_286 = tpu.memref_slice %arg7[%select_n3A_205, %dma_start3A_285] : memref<4x80xi32, #tpu.memory_space<vmem>> -> memref<1x80xi32, #tpu.memory_space<vmem>>
        %dma_start3A_287 = tpu.memref_squeeze %dma_start3A_286 : memref<1x80xi32, #tpu.memory_space<vmem>> -> memref<80xi32, #tpu.memory_space<vmem>>
        %dma_start3A_288 = arith.constant 0 : i32
        %dma_start3A_289 = tpu.memref_slice %arg3[%dma_start3A_276, %add3A, %add3A_196, %dma_start3A_288] : memref<2x32x125x80xi32, #tpu.memory_space<hbm>> -> memref<1x1x1x80xi32, #tpu.memory_space<hbm>>
        %dma_start3A_290 = tpu.memref_squeeze %dma_start3A_289 : memref<1x1x1x80xi32, #tpu.memory_space<hbm>> -> memref<80xi32, #tpu.memory_space<hbm>>
        tpu.enqueue_dma source(%dma_start3A_290 : memref<80xi32, #tpu.memory_space<hbm>>) target(%dma_start3A_287 : memref<80xi32, #tpu.memory_space<vmem>>) target_semaphore(%dma_start3A_284 : memref<!tpu.dma_semaphore, #tpu.memory_space<semaphore_mem>>)
        %dma_start3A_291 = arith.constant 1 : i32
        %dma_start3A_292 = arith.constant 0 : i32
        %dma_start3A_293 = tpu.memref_slice %arg8[%select_n3A_205, %dma_start3A_292] : memref<4x80xi32, #tpu.memory_space<vmem>> -> memref<1x80xi32, #tpu.memory_space<vmem>>
        %dma_start3A_294 = tpu.memref_squeeze %dma_start3A_293 : memref<1x80xi32, #tpu.memory_space<vmem>> -> memref<80xi32, #tpu.memory_space<vmem>>
        %dma_start3A_295 = arith.constant 0 : i32
        %dma_start3A_296 = tpu.memref_slice %arg3[%dma_start3A_291, %add3A, %add3A_196, %dma_start3A_295] : memref<2x32x125x80xi32, #tpu.memory_space<hbm>> -> memref<1x1x1x80xi32, #tpu.memory_space<hbm>>
        %dma_start3A_297 = tpu.memref_squeeze %dma_start3A_296 : memref<1x1x1x80xi32, #tpu.memory_space<hbm>> -> memref<80xi32, #tpu.memory_space<hbm>>
        %dma_start3A_298 = tpu.memref_slice %arg11[%select_n3A_205] : memref<4x!tpu.dma_semaphore, #tpu.memory_space<semaphore_mem>> -> memref<1x!tpu.dma_semaphore, #tpu.memory_space<semaphore_mem>>
        %dma_start3A_299 = tpu.memref_squeeze %dma_start3A_298 : memref<1x!tpu.dma_semaphore, #tpu.memory_space<semaphore_mem>> -> memref<!tpu.dma_semaphore, #tpu.memory_space<semaphore_mem>>
        %dma_start3A_300 = arith.constant 0 : i32
        %dma_start3A_301 = tpu.memref_slice %arg8[%select_n3A_205, %dma_start3A_300] : memref<4x80xi32, #tpu.memory_space<vmem>> -> memref<1x80xi32, #tpu.memory_space<vmem>>
        %dma_start3A_302 = tpu.memref_squeeze %dma_start3A_301 : memref<1x80xi32, #tpu.memory_space<vmem>> -> memref<80xi32, #tpu.memory_space<vmem>>
        %dma_start3A_303 = arith.constant 0 : i32
        %dma_start3A_304 = tpu.memref_slice %arg3[%dma_start3A_291, %add3A, %add3A_196, %dma_start3A_303] : memref<2x32x125x80xi32, #tpu.memory_space<hbm>> -> memref<1x1x1x80xi32, #tpu.memory_space<hbm>>
        %dma_start3A_305 = tpu.memref_squeeze %dma_start3A_304 : memref<1x1x1x80xi32, #tpu.memory_space<hbm>> -> memref<80xi32, #tpu.memory_space<hbm>>
        tpu.enqueue_dma source(%dma_start3A_305 : memref<80xi32, #tpu.memory_space<hbm>>) target(%dma_start3A_302 : memref<80xi32, #tpu.memory_space<vmem>>) target_semaphore(%dma_start3A_299 : memref<!tpu.dma_semaphore, #tpu.memory_space<semaphore_mem>>)
      } else {
      }
      %add3A_209 = arith.constant 1 : i32
      %add3A_210 = arith.addi %scan3A_194, %add3A_209 : i32
      %jit3A_211 = arith.constant 4 : i32
      %eq3A_212 = arith.constant 0 : i32
      %eq3A_213 = arith.cmpi eq, %jit3A_211, %eq3A_212 : i32
      %jit3A_214 = arith.constant 1 : i32
      %select_n3A_215 = arith.select %eq3A_213, %jit3A_214, %jit3A_211 : i32
      %rem3A_216 = arith.remsi %add3A_210, %select_n3A_215 : i32
      %ne3A_217 = arith.constant 0 : i32
      %ne3A_218 = arith.cmpi ne, %rem3A_216, %ne3A_217 : i32
      %lt3A_219 = arith.constant 0 : i32
      %lt3A_220 = arith.cmpi slt, %rem3A_216, %lt3A_219 : i32
      %lt3A_221 = arith.constant 0 : i32
      %lt3A_222 = arith.cmpi slt, %select_n3A_215, %lt3A_221 : i32
      %ne3A_223 = arith.xori %lt3A_220, %lt3A_222 : i1
      %and3A_224 = arith.andi %ne3A_223, %ne3A_218 : i1
      %add3A_225 = arith.addi %rem3A_216, %select_n3A_215 : i32
      %select_n3A_226 = arith.select %and3A_224, %add3A_225, %rem3A_216 : i32
      %lt3A_227 = arith.constant 125 : i32
      %lt3A_228 = arith.cmpi slt, %add3A_210, %lt3A_227 : i32
      %convert_element_type3A_229 = arith.extui %lt3A_228 : i1 to i32
      %cond3A_230 = arith.constant 0 : i32
      %cond3A_231 = arith.cmpi ne, %convert_element_type3A_229, %cond3A_230 : i32
      scf.if %cond3A_231 {
        %dma_wait3A_272 = arith.constant 0 : i32
        %dma_wait3A_273 = arith.constant 0 : i32
        %dma_wait3A_274 = arith.constant 0 : i32
        %dma_wait3A_275 = tpu.memref_slice %arg7[%select_n3A_226, %dma_wait3A_274] : memref<4x80xi32, #tpu.memory_space<vmem>> -> memref<1x80xi32, #tpu.memory_space<vmem>>
        %dma_wait3A_276 = tpu.memref_squeeze %dma_wait3A_275 : memref<1x80xi32, #tpu.memory_space<vmem>> -> memref<80xi32, #tpu.memory_space<vmem>>
        %dma_wait3A_277 = arith.constant 0 : i32
        %dma_wait3A_278 = tpu.memref_slice %arg3[%dma_wait3A_272, %add3A, %dma_wait3A_273, %dma_wait3A_277] : memref<2x32x125x80xi32, #tpu.memory_space<hbm>> -> memref<1x1x1x80xi32, #tpu.memory_space<hbm>>
        %dma_wait3A_279 = tpu.memref_squeeze %dma_wait3A_278 : memref<1x1x1x80xi32, #tpu.memory_space<hbm>> -> memref<80xi32, #tpu.memory_space<hbm>>
        %dma_wait3A_280 = tpu.memref_slice %arg10[%select_n3A_226] : memref<4x!tpu.dma_semaphore, #tpu.memory_space<semaphore_mem>> -> memref<1x!tpu.dma_semaphore, #tpu.memory_space<semaphore_mem>>
        %dma_wait3A_281 = tpu.memref_squeeze %dma_wait3A_280 : memref<1x!tpu.dma_semaphore, #tpu.memory_space<semaphore_mem>> -> memref<!tpu.dma_semaphore, #tpu.memory_space<semaphore_mem>>
        %dma_wait3A_282 = arith.constant 0 : i32
        %dma_wait3A_283 = tpu.memref_slice %arg7[%select_n3A_226, %dma_wait3A_282] : memref<4x80xi32, #tpu.memory_space<vmem>> -> memref<1x80xi32, #tpu.memory_space<vmem>>
        %dma_wait3A_284 = tpu.memref_squeeze %dma_wait3A_283 : memref<1x80xi32, #tpu.memory_space<vmem>> -> memref<80xi32, #tpu.memory_space<vmem>>
        %dma_wait3A_285 = arith.constant 0 : i32
        %dma_wait3A_286 = tpu.memref_slice %arg3[%dma_wait3A_272, %add3A, %dma_wait3A_273, %dma_wait3A_285] : memref<2x32x125x80xi32, #tpu.memory_space<hbm>> -> memref<1x1x1x80xi32, #tpu.memory_space<hbm>>
        %dma_wait3A_287 = tpu.memref_squeeze %dma_wait3A_286 : memref<1x1x1x80xi32, #tpu.memory_space<hbm>> -> memref<80xi32, #tpu.memory_space<hbm>>
        tpu.wait_dma2 semaphore(%dma_wait3A_281 : memref<!tpu.dma_semaphore, #tpu.memory_space<semaphore_mem>>) src(%dma_wait3A_287 : memref<80xi32, #tpu.memory_space<hbm>>) dst(%dma_wait3A_284 : memref<80xi32, #tpu.memory_space<vmem>>)
        %dma_wait3A_288 = arith.constant 1 : i32
        %dma_wait3A_289 = arith.constant 0 : i32
        %dma_wait3A_290 = arith.constant 0 : i32
        %dma_wait3A_291 = tpu.memref_slice %arg8[%select_n3A_226, %dma_wait3A_290] : memref<4x80xi32, #tpu.memory_space<vmem>> -> memref<1x80xi32, #tpu.memory_space<vmem>>
        %dma_wait3A_292 = tpu.memref_squeeze %dma_wait3A_291 : memref<1x80xi32, #tpu.memory_space<vmem>> -> memref<80xi32, #tpu.memory_space<vmem>>
        %dma_wait3A_293 = arith.constant 0 : i32
        %dma_wait3A_294 = tpu.memref_slice %arg3[%dma_wait3A_288, %add3A, %dma_wait3A_289, %dma_wait3A_293] : memref<2x32x125x80xi32, #tpu.memory_space<hbm>> -> memref<1x1x1x80xi32, #tpu.memory_space<hbm>>
        %dma_wait3A_295 = tpu.memref_squeeze %dma_wait3A_294 : memref<1x1x1x80xi32, #tpu.memory_space<hbm>> -> memref<80xi32, #tpu.memory_space<hbm>>
        %dma_wait3A_296 = tpu.memref_slice %arg11[%select_n3A_226] : memref<4x!tpu.dma_semaphore, #tpu.memory_space<semaphore_mem>> -> memref<1x!tpu.dma_semaphore, #tpu.memory_space<semaphore_mem>>
        %dma_wait3A_297 = tpu.memref_squeeze %dma_wait3A_296 : memref<1x!tpu.dma_semaphore, #tpu.memory_space<semaphore_mem>> -> memref<!tpu.dma_semaphore, #tpu.memory_space<semaphore_mem>>
        %dma_wait3A_298 = arith.constant 0 : i32
        %dma_wait3A_299 = tpu.memref_slice %arg8[%select_n3A_226, %dma_wait3A_298] : memref<4x80xi32, #tpu.memory_space<vmem>> -> memref<1x80xi32, #tpu.memory_space<vmem>>
        %dma_wait3A_300 = tpu.memref_squeeze %dma_wait3A_299 : memref<1x80xi32, #tpu.memory_space<vmem>> -> memref<80xi32, #tpu.memory_space<vmem>>
        %dma_wait3A_301 = arith.constant 0 : i32
        %dma_wait3A_302 = tpu.memref_slice %arg3[%dma_wait3A_288, %add3A, %dma_wait3A_289, %dma_wait3A_301] : memref<2x32x125x80xi32, #tpu.memory_space<hbm>> -> memref<1x1x1x80xi32, #tpu.memory_space<hbm>>
        %dma_wait3A_303 = tpu.memref_squeeze %dma_wait3A_302 : memref<1x1x1x80xi32, #tpu.memory_space<hbm>> -> memref<80xi32, #tpu.memory_space<hbm>>
        tpu.wait_dma2 semaphore(%dma_wait3A_297 : memref<!tpu.dma_semaphore, #tpu.memory_space<semaphore_mem>>) src(%dma_wait3A_303 : memref<80xi32, #tpu.memory_space<hbm>>) dst(%dma_wait3A_300 : memref<80xi32, #tpu.memory_space<vmem>>)
        %dma_start3A_304 = arith.constant 0 : i32
        %dma_start3A_305 = arith.constant 0 : i32
        %dma_start3A_306 = tpu.memref_slice %arg9[%select_n3A_226, %dma_start3A_304, %dma_start3A_305] : memref<4x80x128xf32, #tpu.memory_space<vmem>> -> memref<1x80x128xf32, #tpu.memory_space<vmem>>
        %dma_start3A_307 = tpu.memref_squeeze %dma_start3A_306 : memref<1x80x128xf32, #tpu.memory_space<vmem>> -> memref<80x128xf32, #tpu.memory_space<vmem>>
        %dma_start3A_308 = arith.constant 0 : i32
        %dma_start3A_309 = tpu.memref_slice %arg7[%select_n3A_226, %dma_start3A_308] : memref<4x80xi32, #tpu.memory_space<vmem>> -> memref<1x80xi32, #tpu.memory_space<vmem>>
        %dma_start3A_310 = tpu.memref_squeeze %dma_start3A_309 : memref<1x80xi32, #tpu.memory_space<vmem>> -> memref<80xi32, #tpu.memory_space<vmem>>
        %dma_start3A_311 = arith.constant 0 : i32
        %dma_start3A_312 = arith.constant 0 : i32
        %dma_start3A_313 = tpu.memref_slice %arg2[%dma_start3A_311, %dma_start3A_312] : memref<10000x128xf32, #tpu.memory_space<hbm>> -> memref<10000x128xf32, #tpu.memory_space<hbm>>
        %dma_start3A_314 = tpu.memref_slice %arg12[%select_n3A_226] : memref<4x!tpu.dma_semaphore, #tpu.memory_space<semaphore_mem>> -> memref<1x!tpu.dma_semaphore, #tpu.memory_space<semaphore_mem>>
        %dma_start3A_315 = tpu.memref_squeeze %dma_start3A_314 : memref<1x!tpu.dma_semaphore, #tpu.memory_space<semaphore_mem>> -> memref<!tpu.dma_semaphore, #tpu.memory_space<semaphore_mem>>
        tpu.enqueue_indirect_dma source(%dma_start3A_313 : memref<10000x128xf32, #tpu.memory_space<hbm>>) target(%dma_start3A_307 : memref<80x128xf32, #tpu.memory_space<vmem>>) offsets(%dma_start3A_310 : memref<80xi32, #tpu.memory_space<vmem>>) semaphore(%dma_start3A_315 : memref<!tpu.dma_semaphore, #tpu.memory_space<semaphore_mem>>)
      } else {
      }
      %jit3A_232 = arith.constant 4 : i32
      %eq3A_233 = arith.constant 0 : i32
      %eq3A_234 = arith.cmpi eq, %jit3A_232, %eq3A_233 : i32
      %jit3A_235 = arith.constant 1 : i32
      %select_n3A_236 = arith.select %eq3A_234, %jit3A_235, %jit3A_232 : i32
      %rem3A_237 = arith.remsi %scan3A_194, %select_n3A_236 : i32
      %ne3A_238 = arith.constant 0 : i32
      %ne3A_239 = arith.cmpi ne, %rem3A_237, %ne3A_238 : i32
      %lt3A_240 = arith.constant 0 : i32
      %lt3A_241 = arith.cmpi slt, %rem3A_237, %lt3A_240 : i32
      %lt3A_242 = arith.constant 0 : i32
      %lt3A_243 = arith.cmpi slt, %select_n3A_236, %lt3A_242 : i32
      %ne3A_244 = arith.xori %lt3A_241, %lt3A_243 : i1
      %and3A_245 = arith.andi %ne3A_244, %ne3A_239 : i1
      %add3A_246 = arith.addi %rem3A_237, %select_n3A_236 : i32
      %select_n3A_247 = arith.select %and3A_245, %add3A_246, %rem3A_237 : i32
      %dma_wait3A_248 = arith.constant 0 : i32
      %dma_wait3A_249 = arith.constant 0 : i32
      %dma_wait3A_250 = tpu.memref_slice %arg9[%select_n3A_247, %dma_wait3A_248, %dma_wait3A_249] : memref<4x80x128xf32, #tpu.memory_space<vmem>> -> memref<1x80x128xf32, #tpu.memory_space<vmem>>
      %dma_wait3A_251 = tpu.memref_squeeze %dma_wait3A_250 : memref<1x80x128xf32, #tpu.memory_space<vmem>> -> memref<80x128xf32, #tpu.memory_space<vmem>>
      %dma_wait3A_252 = arith.constant 0 : i32
      %dma_wait3A_253 = tpu.memref_slice %arg7[%select_n3A_247, %dma_wait3A_252] : memref<4x80xi32, #tpu.memory_space<vmem>> -> memref<1x80xi32, #tpu.memory_space<vmem>>
      %dma_wait3A_254 = tpu.memref_squeeze %dma_wait3A_253 : memref<1x80xi32, #tpu.memory_space<vmem>> -> memref<80xi32, #tpu.memory_space<vmem>>
      %dma_wait3A_255 = arith.constant 0 : i32
      %dma_wait3A_256 = arith.constant 0 : i32
      %dma_wait3A_257 = tpu.memref_slice %arg2[%dma_wait3A_255, %dma_wait3A_256] : memref<10000x128xf32, #tpu.memory_space<hbm>> -> memref<10000x128xf32, #tpu.memory_space<hbm>>
      %dma_wait3A_258 = tpu.memref_slice %arg12[%select_n3A_247] : memref<4x!tpu.dma_semaphore, #tpu.memory_space<semaphore_mem>> -> memref<1x!tpu.dma_semaphore, #tpu.memory_space<semaphore_mem>>
      %dma_wait3A_259 = tpu.memref_squeeze %dma_wait3A_258 : memref<1x!tpu.dma_semaphore, #tpu.memory_space<semaphore_mem>> -> memref<!tpu.dma_semaphore, #tpu.memory_space<semaphore_mem>>
      tpu.wait_indirect_dma semaphore(%dma_wait3A_259 : memref<!tpu.dma_semaphore, #tpu.memory_space<semaphore_mem>>) src(%dma_wait3A_257 : memref<10000x128xf32, #tpu.memory_space<hbm>>) dst(%dma_wait3A_251 : memref<80x128xf32, #tpu.memory_space<vmem>>)
      %dma_start3A_260 = arith.constant 0 : i32
      %dma_start3A_261 = arith.constant 0 : i32
      %dma_start3A_262 = tpu.memref_slice %arg9[%select_n3A_247, %dma_start3A_260, %dma_start3A_261] : memref<4x80x128xf32, #tpu.memory_space<vmem>> -> memref<1x80x128xf32, #tpu.memory_space<vmem>>
      %dma_start3A_263 = tpu.memref_squeeze %dma_start3A_262 : memref<1x80x128xf32, #tpu.memory_space<vmem>> -> memref<80x128xf32, #tpu.memory_space<vmem>>
      %dma_start3A_264 = arith.constant 0 : i32
      %dma_start3A_265 = tpu.memref_slice %arg8[%select_n3A_247, %dma_start3A_264] : memref<4x80xi32, #tpu.memory_space<vmem>> -> memref<1x80xi32, #tpu.memory_space<vmem>>
      %dma_start3A_266 = tpu.memref_squeeze %dma_start3A_265 : memref<1x80xi32, #tpu.memory_space<vmem>> -> memref<80xi32, #tpu.memory_space<vmem>>
      %dma_start3A_267 = arith.constant 0 : i32
      %dma_start3A_268 = arith.constant 0 : i32
      %dma_start3A_269 = tpu.memref_slice %arg6[%dma_start3A_267, %dma_start3A_268] : memref<10240x128xf32, #tpu.memory_space<vmem_shared>> -> memref<10240x128xf32, #tpu.memory_space<vmem_shared>>
      %dma_start3A_270 = tpu.memref_slice %arg13[%select_n3A_247] : memref<4x!tpu.dma_semaphore, #tpu.memory_space<semaphore_mem>> -> memref<1x!tpu.dma_semaphore, #tpu.memory_space<semaphore_mem>>
      %dma_start3A_271 = tpu.memref_squeeze %dma_start3A_270 : memref<1x!tpu.dma_semaphore, #tpu.memory_space<semaphore_mem>> -> memref<!tpu.dma_semaphore, #tpu.memory_space<semaphore_mem>>
      tpu.enqueue_indirect_dma source(%dma_start3A_263 : memref<80x128xf32, #tpu.memory_space<vmem>>) target(%dma_start3A_269 : memref<10240x128xf32, #tpu.memory_space<vmem_shared>>) offsets(%dma_start3A_266 : memref<80xi32, #tpu.memory_space<vmem>>) semaphore(%dma_start3A_271 : memref<!tpu.dma_semaphore, #tpu.memory_space<semaphore_mem>>) {add = true}
    }
    %scan3A_128 = arith.constant 125 : i32
    %dma_wait3A_129 = arith.constant 0 : i32
    %dma_wait3A_130 = arith.constant 0 : i32
    %dma_wait3A_131 = arith.constant 0 : i32
    %dma_wait3A_132 = arith.constant 0 : i32
    %dma_wait3A_133 = arith.constant 0 : i32
    %dma_wait3A_134 = tpu.memref_slice %arg9[%dma_wait3A_129, %dma_wait3A_132, %dma_wait3A_133] : memref<4x80x128xf32, #tpu.memory_space<vmem>> -> memref<1x80x128xf32, #tpu.memory_space<vmem>>
    %dma_wait3A_135 = tpu.memref_squeeze %dma_wait3A_134 : memref<1x80x128xf32, #tpu.memory_space<vmem>> -> memref<80x128xf32, #tpu.memory_space<vmem>>
    %dma_wait3A_136 = arith.constant 0 : i32
    %dma_wait3A_137 = tpu.memref_slice %arg8[%dma_wait3A_130, %dma_wait3A_136] : memref<4x80xi32, #tpu.memory_space<vmem>> -> memref<1x80xi32, #tpu.memory_space<vmem>>
    %dma_wait3A_138 = tpu.memref_squeeze %dma_wait3A_137 : memref<1x80xi32, #tpu.memory_space<vmem>> -> memref<80xi32, #tpu.memory_space<vmem>>
    %dma_wait3A_139 = arith.constant 0 : i32
    %dma_wait3A_140 = arith.constant 0 : i32
    %dma_wait3A_141 = tpu.memref_slice %arg6[%dma_wait3A_139, %dma_wait3A_140] : memref<10240x128xf32, #tpu.memory_space<vmem_shared>> -> memref<10240x128xf32, #tpu.memory_space<vmem_shared>>
    %dma_wait3A_142 = tpu.memref_slice %arg13[%dma_wait3A_131] : memref<4x!tpu.dma_semaphore, #tpu.memory_space<semaphore_mem>> -> memref<1x!tpu.dma_semaphore, #tpu.memory_space<semaphore_mem>>
    %dma_wait3A_143 = tpu.memref_squeeze %dma_wait3A_142 : memref<1x!tpu.dma_semaphore, #tpu.memory_space<semaphore_mem>> -> memref<!tpu.dma_semaphore, #tpu.memory_space<semaphore_mem>>
    tpu.wait_indirect_dma semaphore(%dma_wait3A_143 : memref<!tpu.dma_semaphore, #tpu.memory_space<semaphore_mem>>) src(%dma_wait3A_135 : memref<80x128xf32, #tpu.memory_space<vmem>>) dst(%dma_wait3A_141 : memref<10240x128xf32, #tpu.memory_space<vmem_shared>>)
    %dma_wait3A_144 = arith.constant 1 : i32
    %dma_wait3A_145 = arith.constant 1 : i32
    %dma_wait3A_146 = arith.constant 1 : i32
    %dma_wait3A_147 = arith.constant 0 : i32
    %dma_wait3A_148 = arith.constant 0 : i32
    %dma_wait3A_149 = tpu.memref_slice %arg9[%dma_wait3A_144, %dma_wait3A_147, %dma_wait3A_148] : memref<4x80x128xf32, #tpu.memory_space<vmem>> -> memref<1x80x128xf32, #tpu.memory_space<vmem>>
    %dma_wait3A_150 = tpu.memref_squeeze %dma_wait3A_149 : memref<1x80x128xf32, #tpu.memory_space<vmem>> -> memref<80x128xf32, #tpu.memory_space<vmem>>
    %dma_wait3A_151 = arith.constant 0 : i32
    %dma_wait3A_152 = tpu.memref_slice %arg8[%dma_wait3A_145, %dma_wait3A_151] : memref<4x80xi32, #tpu.memory_space<vmem>> -> memref<1x80xi32, #tpu.memory_space<vmem>>
    %dma_wait3A_153 = tpu.memref_squeeze %dma_wait3A_152 : memref<1x80xi32, #tpu.memory_space<vmem>> -> memref<80xi32, #tpu.memory_space<vmem>>
    %dma_wait3A_154 = arith.constant 0 : i32
    %dma_wait3A_155 = arith.constant 0 : i32
    %dma_wait3A_156 = tpu.memref_slice %arg6[%dma_wait3A_154, %dma_wait3A_155] : memref<10240x128xf32, #tpu.memory_space<vmem_shared>> -> memref<10240x128xf32, #tpu.memory_space<vmem_shared>>
    %dma_wait3A_157 = tpu.memref_slice %arg13[%dma_wait3A_146] : memref<4x!tpu.dma_semaphore, #tpu.memory_space<semaphore_mem>> -> memref<1x!tpu.dma_semaphore, #tpu.memory_space<semaphore_mem>>
    %dma_wait3A_158 = tpu.memref_squeeze %dma_wait3A_157 : memref<1x!tpu.dma_semaphore, #tpu.memory_space<semaphore_mem>> -> memref<!tpu.dma_semaphore, #tpu.memory_space<semaphore_mem>>
    tpu.wait_indirect_dma semaphore(%dma_wait3A_158 : memref<!tpu.dma_semaphore, #tpu.memory_space<semaphore_mem>>) src(%dma_wait3A_150 : memref<80x128xf32, #tpu.memory_space<vmem>>) dst(%dma_wait3A_156 : memref<10240x128xf32, #tpu.memory_space<vmem_shared>>)
    %dma_wait3A_159 = arith.constant 2 : i32
    %dma_wait3A_160 = arith.constant 2 : i32
    %dma_wait3A_161 = arith.constant 2 : i32
    %dma_wait3A_162 = arith.constant 0 : i32
    %dma_wait3A_163 = arith.constant 0 : i32
    %dma_wait3A_164 = tpu.memref_slice %arg9[%dma_wait3A_159, %dma_wait3A_162, %dma_wait3A_163] : memref<4x80x128xf32, #tpu.memory_space<vmem>> -> memref<1x80x128xf32, #tpu.memory_space<vmem>>
    %dma_wait3A_165 = tpu.memref_squeeze %dma_wait3A_164 : memref<1x80x128xf32, #tpu.memory_space<vmem>> -> memref<80x128xf32, #tpu.memory_space<vmem>>
    %dma_wait3A_166 = arith.constant 0 : i32
    %dma_wait3A_167 = tpu.memref_slice %arg8[%dma_wait3A_160, %dma_wait3A_166] : memref<4x80xi32, #tpu.memory_space<vmem>> -> memref<1x80xi32, #tpu.memory_space<vmem>>
    %dma_wait3A_168 = tpu.memref_squeeze %dma_wait3A_167 : memref<1x80xi32, #tpu.memory_space<vmem>> -> memref<80xi32, #tpu.memory_space<vmem>>
    %dma_wait3A_169 = arith.constant 0 : i32
    %dma_wait3A_170 = arith.constant 0 : i32
    %dma_wait3A_171 = tpu.memref_slice %arg6[%dma_wait3A_169, %dma_wait3A_170] : memref<10240x128xf32, #tpu.memory_space<vmem_shared>> -> memref<10240x128xf32, #tpu.memory_space<vmem_shared>>
    %dma_wait3A_172 = tpu.memref_slice %arg13[%dma_wait3A_161] : memref<4x!tpu.dma_semaphore, #tpu.memory_space<semaphore_mem>> -> memref<1x!tpu.dma_semaphore, #tpu.memory_space<semaphore_mem>>
    %dma_wait3A_173 = tpu.memref_squeeze %dma_wait3A_172 : memref<1x!tpu.dma_semaphore, #tpu.memory_space<semaphore_mem>> -> memref<!tpu.dma_semaphore, #tpu.memory_space<semaphore_mem>>
    tpu.wait_indirect_dma semaphore(%dma_wait3A_173 : memref<!tpu.dma_semaphore, #tpu.memory_space<semaphore_mem>>) src(%dma_wait3A_165 : memref<80x128xf32, #tpu.memory_space<vmem>>) dst(%dma_wait3A_171 : memref<10240x128xf32, #tpu.memory_space<vmem_shared>>)
    %dma_wait3A_174 = arith.constant 3 : i32
    %dma_wait3A_175 = arith.constant 3 : i32
    %dma_wait3A_176 = arith.constant 3 : i32
    %dma_wait3A_177 = arith.constant 0 : i32
    %dma_wait3A_178 = arith.constant 0 : i32
    %dma_wait3A_179 = tpu.memref_slice %arg9[%dma_wait3A_174, %dma_wait3A_177, %dma_wait3A_178] : memref<4x80x128xf32, #tpu.memory_space<vmem>> -> memref<1x80x128xf32, #tpu.memory_space<vmem>>
    %dma_wait3A_180 = tpu.memref_squeeze %dma_wait3A_179 : memref<1x80x128xf32, #tpu.memory_space<vmem>> -> memref<80x128xf32, #tpu.memory_space<vmem>>
    %dma_wait3A_181 = arith.constant 0 : i32
    %dma_wait3A_182 = tpu.memref_slice %arg8[%dma_wait3A_175, %dma_wait3A_181] : memref<4x80xi32, #tpu.memory_space<vmem>> -> memref<1x80xi32, #tpu.memory_space<vmem>>
    %dma_wait3A_183 = tpu.memref_squeeze %dma_wait3A_182 : memref<1x80xi32, #tpu.memory_space<vmem>> -> memref<80xi32, #tpu.memory_space<vmem>>
    %dma_wait3A_184 = arith.constant 0 : i32
    %dma_wait3A_185 = arith.constant 0 : i32
    %dma_wait3A_186 = tpu.memref_slice %arg6[%dma_wait3A_184, %dma_wait3A_185] : memref<10240x128xf32, #tpu.memory_space<vmem_shared>> -> memref<10240x128xf32, #tpu.memory_space<vmem_shared>>
    %dma_wait3A_187 = tpu.memref_slice %arg13[%dma_wait3A_176] : memref<4x!tpu.dma_semaphore, #tpu.memory_space<semaphore_mem>> -> memref<1x!tpu.dma_semaphore, #tpu.memory_space<semaphore_mem>>
    %dma_wait3A_188 = tpu.memref_squeeze %dma_wait3A_187 : memref<1x!tpu.dma_semaphore, #tpu.memory_space<semaphore_mem>> -> memref<!tpu.dma_semaphore, #tpu.memory_space<semaphore_mem>>
    tpu.wait_indirect_dma semaphore(%dma_wait3A_188 : memref<!tpu.dma_semaphore, #tpu.memory_space<semaphore_mem>>) src(%dma_wait3A_180 : memref<80x128xf32, #tpu.memory_space<vmem>>) dst(%dma_wait3A_186 : memref<10240x128xf32, #tpu.memory_space<vmem_shared>>)
    %barrier3A_189 = arith.constant 0 : index
    tpu.barrier barrier_id(%barrier3A_189)
    %mul3A_190 = arith.constant 640 : i32
    %mul3A_191 = arith.muli %arg1, %mul3A_190 : i32
    %mul3A_192 = arith.constant 640 : i32
    %mul3A_193 = arith.muli %arg1, %mul3A_192 : i32
    "tpu.region"() ({
      %run_scoped3A_194 = tpu.sem_alloc : memref<!tpu.dma_semaphore, #tpu.memory_space<semaphore_mem>>
      %dma_start3A_195 = arith.constant 0 : i32
      %dma_start3A_196 = tpu.memref_slice %arg5[%arg0, %mul3A_193, %dma_start3A_195] : memref<2x10240x128xf32, #tpu.memory_space<hbm>> -> memref<1x640x128xf32, #tpu.memory_space<hbm>>
      %dma_start3A_197 = tpu.memref_squeeze %dma_start3A_196 : memref<1x640x128xf32, #tpu.memory_space<hbm>> -> memref<640x128xf32, #tpu.memory_space<hbm>>
      %dma_start3A_198 = arith.constant 0 : i32
      %dma_start3A_199 = tpu.memref_slice %arg6[%mul3A_191, %dma_start3A_198] : memref<10240x128xf32, #tpu.memory_space<vmem_shared>> -> memref<640x128xf32, #tpu.memory_space<vmem_shared>>
      tpu.enqueue_dma source(%dma_start3A_199 : memref<640x128xf32, #tpu.memory_space<vmem_shared>>) target(%dma_start3A_197 : memref<640x128xf32, #tpu.memory_space<hbm>>) target_semaphore(%run_scoped3A_194 : memref<!tpu.dma_semaphore, #tpu.memory_space<semaphore_mem>>)
      %dma_wait3A_200 = arith.constant 0 : i32
      %dma_wait3A_201 = tpu.memref_slice %arg5[%arg0, %mul3A_193, %dma_wait3A_200] : memref<2x10240x128xf32, #tpu.memory_space<hbm>> -> memref<1x640x128xf32, #tpu.memory_space<hbm>>
      %dma_wait3A_202 = tpu.memref_squeeze %dma_wait3A_201 : memref<1x640x128xf32, #tpu.memory_space<hbm>> -> memref<640x128xf32, #tpu.memory_space<hbm>>
      %dma_wait3A_203 = arith.constant 0 : i32
      %dma_wait3A_204 = tpu.memref_slice %arg6[%mul3A_191, %dma_wait3A_203] : memref<10240x128xf32, #tpu.memory_space<vmem_shared>> -> memref<640x128xf32, #tpu.memory_space<vmem_shared>>
      tpu.wait_dma2 semaphore(%run_scoped3A_194 : memref<!tpu.dma_semaphore, #tpu.memory_space<semaphore_mem>>) src(%dma_wait3A_204 : memref<640x128xf32, #tpu.memory_space<vmem_shared>>) dst(%dma_wait3A_202 : memref<640x128xf32, #tpu.memory_space<hbm>>)
      tpu.yield
    }) : () -> ()
    return
  }
}

#map = affine_map<(d0, d1) -> (0, 0, 0, 0)>
#map1 = affine_map<(d0, d1) -> (0)>
#map2 = affine_map<(d0, d1) -> (0, 0)>
module attributes {stable_mosaic.version = 14 : i64} {
  func.func @_degree_body(%arg0: i32, %arg1: i32, %arg2: memref<2x32x125x80xi32, #tpu.memory_space<hbm>>, %arg3: memref<10240xf32, #tpu.memory_space<hbm>>, %arg4: memref<32x10240xf32, #tpu.memory_space<hbm>>, %arg5: memref<32x10240xf32, #tpu.memory_space<hbm>>, %arg6: memref<10240xf32, #tpu.memory_space<vmem>>, %arg7: memref<10240xf32, #tpu.memory_space<vmem>>, %arg8: memref<125x80xi32, #tpu.memory_space<vmem>>, %arg9: memref<125x80xi32, #tpu.memory_space<vmem>>) attributes {dimension_semantics = [#tpu.dimension_semantics<core_parallel>, #tpu.dimension_semantics<subcore_parallel>], iteration_bounds = array<i64: 2, 16>, scalar_prefetch = 0 : i64, scratch_operands = 4 : i64, tpu.core_type = #tpu.core_type<sc_vector_subcore>, window_params = [{transform_indices = #map}, {transform_indices = #map1}, {transform_indices = #map2}, {transform_indices = #map2}]} {
    %mul3A = arith.constant 16 : i32
    %mul3A_0 = arith.muli %arg0, %mul3A : i32
    %add3A = arith.addi %mul3A_0, %arg1 : i32
    "tpu.region"() ({
      %run_scoped3A_8 = tpu.sem_alloc : memref<!tpu.dma_semaphore, #tpu.memory_space<semaphore_mem>>
      tpu.enqueue_dma source(%arg3 : memref<10240xf32, #tpu.memory_space<hbm>>) target(%arg6 : memref<10240xf32, #tpu.memory_space<vmem>>) target_semaphore(%run_scoped3A_8 : memref<!tpu.dma_semaphore, #tpu.memory_space<semaphore_mem>>)
      tpu.wait_dma2 semaphore(%run_scoped3A_8 : memref<!tpu.dma_semaphore, #tpu.memory_space<semaphore_mem>>) src(%arg3 : memref<10240xf32, #tpu.memory_space<hbm>>) dst(%arg6 : memref<10240xf32, #tpu.memory_space<vmem>>)
      tpu.yield
    }) : () -> ()
    "tpu.region"() ({
      %run_scoped3A_8 = tpu.sem_alloc : memref<!tpu.dma_semaphore, #tpu.memory_space<semaphore_mem>>
      tpu.enqueue_dma source(%arg3 : memref<10240xf32, #tpu.memory_space<hbm>>) target(%arg7 : memref<10240xf32, #tpu.memory_space<vmem>>) target_semaphore(%run_scoped3A_8 : memref<!tpu.dma_semaphore, #tpu.memory_space<semaphore_mem>>)
      tpu.wait_dma2 semaphore(%run_scoped3A_8 : memref<!tpu.dma_semaphore, #tpu.memory_space<semaphore_mem>>) src(%arg3 : memref<10240xf32, #tpu.memory_space<hbm>>) dst(%arg7 : memref<10240xf32, #tpu.memory_space<vmem>>)
      tpu.yield
    }) : () -> ()
    %run_scoped3A = arith.constant 0 : i32
    "tpu.region"() ({
      %run_scoped3A_8 = tpu.sem_alloc : memref<!tpu.dma_semaphore, #tpu.memory_space<semaphore_mem>>
      %dma_start3A = arith.constant 0 : i32
      %dma_start3A_9 = arith.constant 0 : i32
      %dma_start3A_10 = tpu.memref_slice %arg2[%run_scoped3A, %add3A, %dma_start3A, %dma_start3A_9] : memref<2x32x125x80xi32, #tpu.memory_space<hbm>> -> memref<1x1x125x80xi32, #tpu.memory_space<hbm>>
      %dma_start3A_11 = tpu.memref_squeeze %dma_start3A_10 : memref<1x1x125x80xi32, #tpu.memory_space<hbm>> -> memref<125x80xi32, #tpu.memory_space<hbm>>
      %dma_start3A_12 = arith.constant 0 : i32
      %dma_start3A_13 = arith.constant 0 : i32
      %dma_start3A_14 = tpu.memref_slice %arg2[%run_scoped3A, %add3A, %dma_start3A_12, %dma_start3A_13] : memref<2x32x125x80xi32, #tpu.memory_space<hbm>> -> memref<1x1x125x80xi32, #tpu.memory_space<hbm>>
      %dma_start3A_15 = tpu.memref_squeeze %dma_start3A_14 : memref<1x1x125x80xi32, #tpu.memory_space<hbm>> -> memref<125x80xi32, #tpu.memory_space<hbm>>
      tpu.enqueue_dma source(%dma_start3A_15 : memref<125x80xi32, #tpu.memory_space<hbm>>) target(%arg8 : memref<125x80xi32, #tpu.memory_space<vmem>>) target_semaphore(%run_scoped3A_8 : memref<!tpu.dma_semaphore, #tpu.memory_space<semaphore_mem>>)
      %dma_wait3A = arith.constant 0 : i32
      %dma_wait3A_16 = arith.constant 0 : i32
      %dma_wait3A_17 = tpu.memref_slice %arg2[%run_scoped3A, %add3A, %dma_wait3A, %dma_wait3A_16] : memref<2x32x125x80xi32, #tpu.memory_space<hbm>> -> memref<1x1x125x80xi32, #tpu.memory_space<hbm>>
      %dma_wait3A_18 = tpu.memref_squeeze %dma_wait3A_17 : memref<1x1x125x80xi32, #tpu.memory_space<hbm>> -> memref<125x80xi32, #tpu.memory_space<hbm>>
      %dma_wait3A_19 = arith.constant 0 : i32
      %dma_wait3A_20 = arith.constant 0 : i32
      %dma_wait3A_21 = tpu.memref_slice %arg2[%run_scoped3A, %add3A, %dma_wait3A_19, %dma_wait3A_20] : memref<2x32x125x80xi32, #tpu.memory_space<hbm>> -> memref<1x1x125x80xi32, #tpu.memory_space<hbm>>
      %dma_wait3A_22 = tpu.memref_squeeze %dma_wait3A_21 : memref<1x1x125x80xi32, #tpu.memory_space<hbm>> -> memref<125x80xi32, #tpu.memory_space<hbm>>
      tpu.wait_dma2 semaphore(%run_scoped3A_8 : memref<!tpu.dma_semaphore, #tpu.memory_space<semaphore_mem>>) src(%dma_wait3A_22 : memref<125x80xi32, #tpu.memory_space<hbm>>) dst(%arg8 : memref<125x80xi32, #tpu.memory_space<vmem>>)
      tpu.yield
    }) : () -> ()
    %run_scoped3A_1 = arith.constant 1 : i32
    "tpu.region"() ({
      %run_scoped3A_8 = tpu.sem_alloc : memref<!tpu.dma_semaphore, #tpu.memory_space<semaphore_mem>>
      %dma_start3A = arith.constant 0 : i32
      %dma_start3A_9 = arith.constant 0 : i32
      %dma_start3A_10 = tpu.memref_slice %arg2[%run_scoped3A_1, %add3A, %dma_start3A, %dma_start3A_9] : memref<2x32x125x80xi32, #tpu.memory_space<hbm>> -> memref<1x1x125x80xi32, #tpu.memory_space<hbm>>
      %dma_start3A_11 = tpu.memref_squeeze %dma_start3A_10 : memref<1x1x125x80xi32, #tpu.memory_space<hbm>> -> memref<125x80xi32, #tpu.memory_space<hbm>>
      %dma_start3A_12 = arith.constant 0 : i32
      %dma_start3A_13 = arith.constant 0 : i32
      %dma_start3A_14 = tpu.memref_slice %arg2[%run_scoped3A_1, %add3A, %dma_start3A_12, %dma_start3A_13] : memref<2x32x125x80xi32, #tpu.memory_space<hbm>> -> memref<1x1x125x80xi32, #tpu.memory_space<hbm>>
      %dma_start3A_15 = tpu.memref_squeeze %dma_start3A_14 : memref<1x1x125x80xi32, #tpu.memory_space<hbm>> -> memref<125x80xi32, #tpu.memory_space<hbm>>
      tpu.enqueue_dma source(%dma_start3A_15 : memref<125x80xi32, #tpu.memory_space<hbm>>) target(%arg9 : memref<125x80xi32, #tpu.memory_space<vmem>>) target_semaphore(%run_scoped3A_8 : memref<!tpu.dma_semaphore, #tpu.memory_space<semaphore_mem>>)
      %dma_wait3A = arith.constant 0 : i32
      %dma_wait3A_16 = arith.constant 0 : i32
      %dma_wait3A_17 = tpu.memref_slice %arg2[%run_scoped3A_1, %add3A, %dma_wait3A, %dma_wait3A_16] : memref<2x32x125x80xi32, #tpu.memory_space<hbm>> -> memref<1x1x125x80xi32, #tpu.memory_space<hbm>>
      %dma_wait3A_18 = tpu.memref_squeeze %dma_wait3A_17 : memref<1x1x125x80xi32, #tpu.memory_space<hbm>> -> memref<125x80xi32, #tpu.memory_space<hbm>>
      %dma_wait3A_19 = arith.constant 0 : i32
      %dma_wait3A_20 = arith.constant 0 : i32
      %dma_wait3A_21 = tpu.memref_slice %arg2[%run_scoped3A_1, %add3A, %dma_wait3A_19, %dma_wait3A_20] : memref<2x32x125x80xi32, #tpu.memory_space<hbm>> -> memref<1x1x125x80xi32, #tpu.memory_space<hbm>>
      %dma_wait3A_22 = tpu.memref_squeeze %dma_wait3A_21 : memref<1x1x125x80xi32, #tpu.memory_space<hbm>> -> memref<125x80xi32, #tpu.memory_space<hbm>>
      tpu.wait_dma2 semaphore(%run_scoped3A_8 : memref<!tpu.dma_semaphore, #tpu.memory_space<semaphore_mem>>) src(%dma_wait3A_22 : memref<125x80xi32, #tpu.memory_space<hbm>>) dst(%arg9 : memref<125x80xi32, #tpu.memory_space<vmem>>)
      tpu.yield
    }) : () -> ()
    %broadcast_in_dim3A = arith.constant 1.000000e+00 : f32
    %broadcast_in_dim3A_2 = vector.broadcast %broadcast_in_dim3A : f32 to vector<16xf32>
    %scan3A = arith.constant 0 : i32
    %scan3A_3 = arith.constant 0 : i32
    %scan3A_4 = arith.constant 125 : i32
    %scan3A_5 = arith.addi %scan3A_3, %scan3A_4 : i32
    %scan3A_6 = arith.constant 1 : i32
    scf.for %scan3A_8 = %scan3A_3 to %scan3A_5 step %scan3A_6  : i32 {
      %get3A = arith.index_cast %scan3A_8 : i32 to index
      %get3A_9 = arith.constant 0 : index
      %get3A_10 = tpu.vector_load %arg8[%get3A, %get3A_9] {strides = array<i32>} : memref<125x80xi32, #tpu.memory_space<vmem>>, vector<16xi32>,
      %get3A_11 = arith.index_cast %scan3A_8 : i32 to index
      %get3A_12 = arith.constant 0 : index
      %get3A_13 = tpu.vector_load %arg9[%get3A_11, %get3A_12] {strides = array<i32>} : memref<125x80xi32, #tpu.memory_space<vmem>>, vector<16xi32>,
      tpu.vector_store_idx %arg6[%get3A_10], %broadcast_in_dim3A_2 {add = true} : memref<10240xf32, #tpu.memory_space<vmem>>[vector<16xi32>], vector<16xf32>,
      tpu.vector_store_idx %arg7[%get3A_13], %broadcast_in_dim3A_2 {add = true} : memref<10240xf32, #tpu.memory_space<vmem>>[vector<16xi32>], vector<16xf32>,
      %get3A_14 = arith.index_cast %scan3A_8 : i32 to index
      %get3A_15 = arith.constant 16 : index
      %get3A_16 = tpu.vector_load %arg8[%get3A_14, %get3A_15] {strides = array<i32>} : memref<125x80xi32, #tpu.memory_space<vmem>>, vector<16xi32>,
      %get3A_17 = arith.index_cast %scan3A_8 : i32 to index
      %get3A_18 = arith.constant 16 : index
      %get3A_19 = tpu.vector_load %arg9[%get3A_17, %get3A_18] {strides = array<i32>} : memref<125x80xi32, #tpu.memory_space<vmem>>, vector<16xi32>,
      tpu.vector_store_idx %arg6[%get3A_16], %broadcast_in_dim3A_2 {add = true} : memref<10240xf32, #tpu.memory_space<vmem>>[vector<16xi32>], vector<16xf32>,
      tpu.vector_store_idx %arg7[%get3A_19], %broadcast_in_dim3A_2 {add = true} : memref<10240xf32, #tpu.memory_space<vmem>>[vector<16xi32>], vector<16xf32>,
      %get3A_20 = arith.index_cast %scan3A_8 : i32 to index
      %get3A_21 = arith.constant 32 : index
      %get3A_22 = tpu.vector_load %arg8[%get3A_20, %get3A_21] {strides = array<i32>} : memref<125x80xi32, #tpu.memory_space<vmem>>, vector<16xi32>,
      %get3A_23 = arith.index_cast %scan3A_8 : i32 to index
      %get3A_24 = arith.constant 32 : index
      %get3A_25 = tpu.vector_load %arg9[%get3A_23, %get3A_24] {strides = array<i32>} : memref<125x80xi32, #tpu.memory_space<vmem>>, vector<16xi32>,
      tpu.vector_store_idx %arg6[%get3A_22], %broadcast_in_dim3A_2 {add = true} : memref<10240xf32, #tpu.memory_space<vmem>>[vector<16xi32>], vector<16xf32>,
      tpu.vector_store_idx %arg7[%get3A_25], %broadcast_in_dim3A_2 {add = true} : memref<10240xf32, #tpu.memory_space<vmem>>[vector<16xi32>], vector<16xf32>,
      %get3A_26 = arith.index_cast %scan3A_8 : i32 to index
      %get3A_27 = arith.constant 48 : index
      %get3A_28 = tpu.vector_load %arg8[%get3A_26, %get3A_27] {strides = array<i32>} : memref<125x80xi32, #tpu.memory_space<vmem>>, vector<16xi32>,
      %get3A_29 = arith.index_cast %scan3A_8 : i32 to index
      %get3A_30 = arith.constant 48 : index
      %get3A_31 = tpu.vector_load %arg9[%get3A_29, %get3A_30] {strides = array<i32>} : memref<125x80xi32, #tpu.memory_space<vmem>>, vector<16xi32>,
      tpu.vector_store_idx %arg6[%get3A_28], %broadcast_in_dim3A_2 {add = true} : memref<10240xf32, #tpu.memory_space<vmem>>[vector<16xi32>], vector<16xf32>,
      tpu.vector_store_idx %arg7[%get3A_31], %broadcast_in_dim3A_2 {add = true} : memref<10240xf32, #tpu.memory_space<vmem>>[vector<16xi32>], vector<16xf32>,
      %get3A_32 = arith.index_cast %scan3A_8 : i32 to index
      %get3A_33 = arith.constant 64 : index
      %get3A_34 = tpu.vector_load %arg8[%get3A_32, %get3A_33] {strides = array<i32>} : memref<125x80xi32, #tpu.memory_space<vmem>>, vector<16xi32>,
      %get3A_35 = arith.index_cast %scan3A_8 : i32 to index
      %get3A_36 = arith.constant 64 : index
      %get3A_37 = tpu.vector_load %arg9[%get3A_35, %get3A_36] {strides = array<i32>} : memref<125x80xi32, #tpu.memory_space<vmem>>, vector<16xi32>,
      tpu.vector_store_idx %arg6[%get3A_34], %broadcast_in_dim3A_2 {add = true} : memref<10240xf32, #tpu.memory_space<vmem>>[vector<16xi32>], vector<16xf32>,
      tpu.vector_store_idx %arg7[%get3A_37], %broadcast_in_dim3A_2 {add = true} : memref<10240xf32, #tpu.memory_space<vmem>>[vector<16xi32>], vector<16xf32>,
    }
    %scan3A_7 = arith.constant 125 : i32
    "tpu.region"() ({
      %run_scoped3A_8 = tpu.sem_alloc : memref<!tpu.dma_semaphore, #tpu.memory_space<semaphore_mem>>
      %dma_start3A = arith.constant 0 : i32
      %dma_start3A_9 = tpu.memref_slice %arg4[%add3A, %dma_start3A] : memref<32x10240xf32, #tpu.memory_space<hbm>> -> memref<1x10240xf32, #tpu.memory_space<hbm>>
      %dma_start3A_10 = tpu.memref_squeeze %dma_start3A_9 : memref<1x10240xf32, #tpu.memory_space<hbm>> -> memref<10240xf32, #tpu.memory_space<hbm>>
      %dma_start3A_11 = arith.constant 0 : i32
      %dma_start3A_12 = tpu.memref_slice %arg4[%add3A, %dma_start3A_11] : memref<32x10240xf32, #tpu.memory_space<hbm>> -> memref<1x10240xf32, #tpu.memory_space<hbm>>
      %dma_start3A_13 = tpu.memref_squeeze %dma_start3A_12 : memref<1x10240xf32, #tpu.memory_space<hbm>> -> memref<10240xf32, #tpu.memory_space<hbm>>
      tpu.enqueue_dma source(%arg6 : memref<10240xf32, #tpu.memory_space<vmem>>) target(%dma_start3A_13 : memref<10240xf32, #tpu.memory_space<hbm>>) target_semaphore(%run_scoped3A_8 : memref<!tpu.dma_semaphore, #tpu.memory_space<semaphore_mem>>)
      %dma_wait3A = arith.constant 0 : i32
      %dma_wait3A_14 = tpu.memref_slice %arg4[%add3A, %dma_wait3A] : memref<32x10240xf32, #tpu.memory_space<hbm>> -> memref<1x10240xf32, #tpu.memory_space<hbm>>
      %dma_wait3A_15 = tpu.memref_squeeze %dma_wait3A_14 : memref<1x10240xf32, #tpu.memory_space<hbm>> -> memref<10240xf32, #tpu.memory_space<hbm>>
      %dma_wait3A_16 = arith.constant 0 : i32
      %dma_wait3A_17 = tpu.memref_slice %arg4[%add3A, %dma_wait3A_16] : memref<32x10240xf32, #tpu.memory_space<hbm>> -> memref<1x10240xf32, #tpu.memory_space<hbm>>
      %dma_wait3A_18 = tpu.memref_squeeze %dma_wait3A_17 : memref<1x10240xf32, #tpu.memory_space<hbm>> -> memref<10240xf32, #tpu.memory_space<hbm>>
      tpu.wait_dma2 semaphore(%run_scoped3A_8 : memref<!tpu.dma_semaphore, #tpu.memory_space<semaphore_mem>>) src(%arg6 : memref<10240xf32, #tpu.memory_space<vmem>>) dst(%dma_wait3A_18 : memref<10240xf32, #tpu.memory_space<hbm>>)
      tpu.yield
    }) : () -> ()
    "tpu.region"() ({
      %run_scoped3A_8 = tpu.sem_alloc : memref<!tpu.dma_semaphore, #tpu.memory_space<semaphore_mem>>
      %dma_start3A = arith.constant 0 : i32
      %dma_start3A_9 = tpu.memref_slice %arg5[%add3A, %dma_start3A] : memref<32x10240xf32, #tpu.memory_space<hbm>> -> memref<1x10240xf32, #tpu.memory_space<hbm>>
      %dma_start3A_10 = tpu.memref_squeeze %dma_start3A_9 : memref<1x10240xf32, #tpu.memory_space<hbm>> -> memref<10240xf32, #tpu.memory_space<hbm>>
      %dma_start3A_11 = arith.constant 0 : i32
      %dma_start3A_12 = tpu.memref_slice %arg5[%add3A, %dma_start3A_11] : memref<32x10240xf32, #tpu.memory_space<hbm>> -> memref<1x10240xf32, #tpu.memory_space<hbm>>
      %dma_start3A_13 = tpu.memref_squeeze %dma_start3A_12 : memref<1x10240xf32, #tpu.memory_space<hbm>> -> memref<10240xf32, #tpu.memory_space<hbm>>
      tpu.enqueue_dma source(%arg7 : memref<10240xf32, #tpu.memory_space<vmem>>) target(%dma_start3A_13 : memref<10240xf32, #tpu.memory_space<hbm>>) target_semaphore(%run_scoped3A_8 : memref<!tpu.dma_semaphore, #tpu.memory_space<semaphore_mem>>)
      %dma_wait3A = arith.constant 0 : i32
      %dma_wait3A_14 = tpu.memref_slice %arg5[%add3A, %dma_wait3A] : memref<32x10240xf32, #tpu.memory_space<hbm>> -> memref<1x10240xf32, #tpu.memory_space<hbm>>
      %dma_wait3A_15 = tpu.memref_squeeze %dma_wait3A_14 : memref<1x10240xf32, #tpu.memory_space<hbm>> -> memref<10240xf32, #tpu.memory_space<hbm>>
      %dma_wait3A_16 = arith.constant 0 : i32
      %dma_wait3A_17 = tpu.memref_slice %arg5[%add3A, %dma_wait3A_16] : memref<32x10240xf32, #tpu.memory_space<hbm>> -> memref<1x10240xf32, #tpu.memory_space<hbm>>
      %dma_wait3A_18 = tpu.memref_squeeze %dma_wait3A_17 : memref<1x10240xf32, #tpu.memory_space<hbm>> -> memref<10240xf32, #tpu.memory_space<hbm>>
      tpu.wait_dma2 semaphore(%run_scoped3A_8 : memref<!tpu.dma_semaphore, #tpu.memory_space<semaphore_mem>>) src(%arg7 : memref<10240xf32, #tpu.memory_space<vmem>>) dst(%dma_wait3A_18 : memref<10240xf32, #tpu.memory_space<hbm>>)
      tpu.yield
    }) : () -> ()
    return
  }
}

#map = affine_map<(d0, d1) -> (0, 0)>
#map1 = affine_map<(d0, d1) -> (0, 0, 0, 0)>
#map2 = affine_map<(d0, d1) -> (0, 0, 0)>
module attributes {stable_mosaic.version = 14 : i64} {
  func.func @_prop_body_staged(%arg0: i32, %arg1: i32, %arg2: memref<10000x48xf32, #tpu.memory_space<hbm>>, %arg3: memref<2x32x125x80xi32, #tpu.memory_space<hbm>>, %arg4: memref<1x640x48xf32, #tpu.memory_space<hbm>>, %arg5: memref<2x10240x48xf32, #tpu.memory_space<hbm>>, %arg6: memref<10240x48xf32, #tpu.memory_space<vmem_shared>>, %arg7: memref<125x80xi32, #tpu.memory_space<vmem>>, %arg8: memref<125x80xi32, #tpu.memory_space<vmem>>, %arg9: memref<4x80x48xf32, #tpu.memory_space<vmem>>, %arg10: memref<4x!tpu.dma_semaphore, #tpu.memory_space<semaphore_mem>>, %arg11: memref<4x!tpu.dma_semaphore, #tpu.memory_space<semaphore_mem>>) attributes {dimension_semantics = [#tpu.dimension_semantics<core_parallel>, #tpu.dimension_semantics<subcore_parallel>], iteration_bounds = array<i64: 2, 16>, scalar_prefetch = 0 : i64, scratch_operands = 6 : i64, tpu.core_type = #tpu.core_type<sc_vector_subcore>, window_params = [{transform_indices = #map}, {transform_indices = #map1}, {transform_indices = #map2}, {transform_indices = #map2}]} {
    %mul3A = arith.constant 16 : i32
    %mul3A_0 = arith.muli %arg0, %mul3A : i32
    %add3A = arith.addi %mul3A_0, %arg1 : i32
    %run_scoped3A = arith.constant 0 : i32
    "tpu.region"() ({
      %run_scoped3A_103 = tpu.sem_alloc : memref<!tpu.dma_semaphore, #tpu.memory_space<semaphore_mem>>
      %dma_start3A_104 = arith.constant 0 : i32
      %dma_start3A_105 = arith.constant 0 : i32
      %dma_start3A_106 = tpu.memref_slice %arg3[%run_scoped3A, %add3A, %dma_start3A_104, %dma_start3A_105] : memref<2x32x125x80xi32, #tpu.memory_space<hbm>> -> memref<1x1x125x80xi32, #tpu.memory_space<hbm>>
      %dma_start3A_107 = tpu.memref_squeeze %dma_start3A_106 : memref<1x1x125x80xi32, #tpu.memory_space<hbm>> -> memref<125x80xi32, #tpu.memory_space<hbm>>
      %dma_start3A_108 = arith.constant 0 : i32
      %dma_start3A_109 = arith.constant 0 : i32
      %dma_start3A_110 = tpu.memref_slice %arg3[%run_scoped3A, %add3A, %dma_start3A_108, %dma_start3A_109] : memref<2x32x125x80xi32, #tpu.memory_space<hbm>> -> memref<1x1x125x80xi32, #tpu.memory_space<hbm>>
      %dma_start3A_111 = tpu.memref_squeeze %dma_start3A_110 : memref<1x1x125x80xi32, #tpu.memory_space<hbm>> -> memref<125x80xi32, #tpu.memory_space<hbm>>
      tpu.enqueue_dma source(%dma_start3A_111 : memref<125x80xi32, #tpu.memory_space<hbm>>) target(%arg7 : memref<125x80xi32, #tpu.memory_space<vmem>>) target_semaphore(%run_scoped3A_103 : memref<!tpu.dma_semaphore, #tpu.memory_space<semaphore_mem>>)
      %dma_wait3A_112 = arith.constant 0 : i32
      %dma_wait3A_113 = arith.constant 0 : i32
      %dma_wait3A_114 = tpu.memref_slice %arg3[%run_scoped3A, %add3A, %dma_wait3A_112, %dma_wait3A_113] : memref<2x32x125x80xi32, #tpu.memory_space<hbm>> -> memref<1x1x125x80xi32, #tpu.memory_space<hbm>>
      %dma_wait3A_115 = tpu.memref_squeeze %dma_wait3A_114 : memref<1x1x125x80xi32, #tpu.memory_space<hbm>> -> memref<125x80xi32, #tpu.memory_space<hbm>>
      %dma_wait3A_116 = arith.constant 0 : i32
      %dma_wait3A_117 = arith.constant 0 : i32
      %dma_wait3A_118 = tpu.memref_slice %arg3[%run_scoped3A, %add3A, %dma_wait3A_116, %dma_wait3A_117] : memref<2x32x125x80xi32, #tpu.memory_space<hbm>> -> memref<1x1x125x80xi32, #tpu.memory_space<hbm>>
      %dma_wait3A_119 = tpu.memref_squeeze %dma_wait3A_118 : memref<1x1x125x80xi32, #tpu.memory_space<hbm>> -> memref<125x80xi32, #tpu.memory_space<hbm>>
      tpu.wait_dma2 semaphore(%run_scoped3A_103 : memref<!tpu.dma_semaphore, #tpu.memory_space<semaphore_mem>>) src(%dma_wait3A_119 : memref<125x80xi32, #tpu.memory_space<hbm>>) dst(%arg7 : memref<125x80xi32, #tpu.memory_space<vmem>>)
      tpu.yield
    }) : () -> ()
    %run_scoped3A_1 = arith.constant 1 : i32
    "tpu.region"() ({
      %run_scoped3A_103 = tpu.sem_alloc : memref<!tpu.dma_semaphore, #tpu.memory_space<semaphore_mem>>
      %dma_start3A_104 = arith.constant 0 : i32
      %dma_start3A_105 = arith.constant 0 : i32
      %dma_start3A_106 = tpu.memref_slice %arg3[%run_scoped3A_1, %add3A, %dma_start3A_104, %dma_start3A_105] : memref<2x32x125x80xi32, #tpu.memory_space<hbm>> -> memref<1x1x125x80xi32, #tpu.memory_space<hbm>>
      %dma_start3A_107 = tpu.memref_squeeze %dma_start3A_106 : memref<1x1x125x80xi32, #tpu.memory_space<hbm>> -> memref<125x80xi32, #tpu.memory_space<hbm>>
      %dma_start3A_108 = arith.constant 0 : i32
      %dma_start3A_109 = arith.constant 0 : i32
      %dma_start3A_110 = tpu.memref_slice %arg3[%run_scoped3A_1, %add3A, %dma_start3A_108, %dma_start3A_109] : memref<2x32x125x80xi32, #tpu.memory_space<hbm>> -> memref<1x1x125x80xi32, #tpu.memory_space<hbm>>
      %dma_start3A_111 = tpu.memref_squeeze %dma_start3A_110 : memref<1x1x125x80xi32, #tpu.memory_space<hbm>> -> memref<125x80xi32, #tpu.memory_space<hbm>>
      tpu.enqueue_dma source(%dma_start3A_111 : memref<125x80xi32, #tpu.memory_space<hbm>>) target(%arg8 : memref<125x80xi32, #tpu.memory_space<vmem>>) target_semaphore(%run_scoped3A_103 : memref<!tpu.dma_semaphore, #tpu.memory_space<semaphore_mem>>)
      %dma_wait3A_112 = arith.constant 0 : i32
      %dma_wait3A_113 = arith.constant 0 : i32
      %dma_wait3A_114 = tpu.memref_slice %arg3[%run_scoped3A_1, %add3A, %dma_wait3A_112, %dma_wait3A_113] : memref<2x32x125x80xi32, #tpu.memory_space<hbm>> -> memref<1x1x125x80xi32, #tpu.memory_space<hbm>>
      %dma_wait3A_115 = tpu.memref_squeeze %dma_wait3A_114 : memref<1x1x125x80xi32, #tpu.memory_space<hbm>> -> memref<125x80xi32, #tpu.memory_space<hbm>>
      %dma_wait3A_116 = arith.constant 0 : i32
      %dma_wait3A_117 = arith.constant 0 : i32
      %dma_wait3A_118 = tpu.memref_slice %arg3[%run_scoped3A_1, %add3A, %dma_wait3A_116, %dma_wait3A_117] : memref<2x32x125x80xi32, #tpu.memory_space<hbm>> -> memref<1x1x125x80xi32, #tpu.memory_space<hbm>>
      %dma_wait3A_119 = tpu.memref_squeeze %dma_wait3A_118 : memref<1x1x125x80xi32, #tpu.memory_space<hbm>> -> memref<125x80xi32, #tpu.memory_space<hbm>>
      tpu.wait_dma2 semaphore(%run_scoped3A_103 : memref<!tpu.dma_semaphore, #tpu.memory_space<semaphore_mem>>) src(%dma_wait3A_119 : memref<125x80xi32, #tpu.memory_space<hbm>>) dst(%arg8 : memref<125x80xi32, #tpu.memory_space<vmem>>)
      tpu.yield
    }) : () -> ()
    %dma_start3A = arith.constant 0 : i32
    %dma_start3A_2 = arith.constant 0 : i32
    %dma_start3A_3 = arith.constant 0 : i32
    %dma_start3A_4 = arith.constant 0 : i32
    %dma_start3A_5 = arith.constant 0 : i32
    %dma_start3A_6 = tpu.memref_slice %arg9[%dma_start3A_2, %dma_start3A_4, %dma_start3A_5] : memref<4x80x48xf32, #tpu.memory_space<vmem>> -> memref<1x80x48xf32, #tpu.memory_space<vmem>>
    %dma_start3A_7 = tpu.memref_squeeze %dma_start3A_6 : memref<1x80x48xf32, #tpu.memory_space<vmem>> -> memref<80x48xf32, #tpu.memory_space<vmem>>
    %dma_start3A_8 = arith.constant 0 : i32
    %dma_start3A_9 = tpu.memref_slice %arg7[%dma_start3A, %dma_start3A_8] : memref<125x80xi32, #tpu.memory_space<vmem>> -> memref<1x80xi32, #tpu.memory_space<vmem>>
    %dma_start3A_10 = tpu.memref_squeeze %dma_start3A_9 : memref<1x80xi32, #tpu.memory_space<vmem>> -> memref<80xi32, #tpu.memory_space<vmem>>
    %dma_start3A_11 = arith.constant 0 : i32
    %dma_start3A_12 = arith.constant 0 : i32
    %dma_start3A_13 = tpu.memref_slice %arg2[%dma_start3A_11, %dma_start3A_12] : memref<10000x48xf32, #tpu.memory_space<hbm>> -> memref<10000x48xf32, #tpu.memory_space<hbm>>
    %dma_start3A_14 = tpu.memref_slice %arg10[%dma_start3A_3] : memref<4x!tpu.dma_semaphore, #tpu.memory_space<semaphore_mem>> -> memref<1x!tpu.dma_semaphore, #tpu.memory_space<semaphore_mem>>
    %dma_start3A_15 = tpu.memref_squeeze %dma_start3A_14 : memref<1x!tpu.dma_semaphore, #tpu.memory_space<semaphore_mem>> -> memref<!tpu.dma_semaphore, #tpu.memory_space<semaphore_mem>>
    tpu.enqueue_indirect_dma source(%dma_start3A_13 : memref<10000x48xf32, #tpu.memory_space<hbm>>) target(%dma_start3A_7 : memref<80x48xf32, #tpu.memory_space<vmem>>) offsets(%dma_start3A_10 : memref<80xi32, #tpu.memory_space<vmem>>) semaphore(%dma_start3A_15 : memref<!tpu.dma_semaphore, #tpu.memory_space<semaphore_mem>>)
    %dma_start3A_16 = arith.constant 1 : i32
    %dma_start3A_17 = arith.constant 1 : i32
    %dma_start3A_18 = arith.constant 1 : i32
    %dma_start3A_19 = arith.constant 0 : i32
    %dma_start3A_20 = arith.constant 0 : i32
    %dma_start3A_21 = tpu.memref_slice %arg9[%dma_start3A_17, %dma_start3A_19, %dma_start3A_20] : memref<4x80x48xf32, #tpu.memory_space<vmem>> -> memref<1x80x48xf32, #tpu.memory_space<vmem>>
    %dma_start3A_22 = tpu.memref_squeeze %dma_start3A_21 : memref<1x80x48xf32, #tpu.memory_space<vmem>> -> memref<80x48xf32, #tpu.memory_space<vmem>>
    %dma_start3A_23 = arith.constant 0 : i32
    %dma_start3A_24 = tpu.memref_slice %arg7[%dma_start3A_16, %dma_start3A_23] : memref<125x80xi32, #tpu.memory_space<vmem>> -> memref<1x80xi32, #tpu.memory_space<vmem>>
    %dma_start3A_25 = tpu.memref_squeeze %dma_start3A_24 : memref<1x80xi32, #tpu.memory_space<vmem>> -> memref<80xi32, #tpu.memory_space<vmem>>
    %dma_start3A_26 = arith.constant 0 : i32
    %dma_start3A_27 = arith.constant 0 : i32
    %dma_start3A_28 = tpu.memref_slice %arg2[%dma_start3A_26, %dma_start3A_27] : memref<10000x48xf32, #tpu.memory_space<hbm>> -> memref<10000x48xf32, #tpu.memory_space<hbm>>
    %dma_start3A_29 = tpu.memref_slice %arg10[%dma_start3A_18] : memref<4x!tpu.dma_semaphore, #tpu.memory_space<semaphore_mem>> -> memref<1x!tpu.dma_semaphore, #tpu.memory_space<semaphore_mem>>
    %dma_start3A_30 = tpu.memref_squeeze %dma_start3A_29 : memref<1x!tpu.dma_semaphore, #tpu.memory_space<semaphore_mem>> -> memref<!tpu.dma_semaphore, #tpu.memory_space<semaphore_mem>>
    tpu.enqueue_indirect_dma source(%dma_start3A_28 : memref<10000x48xf32, #tpu.memory_space<hbm>>) target(%dma_start3A_22 : memref<80x48xf32, #tpu.memory_space<vmem>>) offsets(%dma_start3A_25 : memref<80xi32, #tpu.memory_space<vmem>>) semaphore(%dma_start3A_30 : memref<!tpu.dma_semaphore, #tpu.memory_space<semaphore_mem>>)
    %mul3A_31 = arith.constant 640 : i32
    %mul3A_32 = arith.muli %arg1, %mul3A_31 : i32
    %run_scoped3A_33 = arith.constant 0 : i32
    "tpu.region"() ({
      %run_scoped3A_103 = tpu.sem_alloc : memref<!tpu.dma_semaphore, #tpu.memory_space<semaphore_mem>>
      %dma_start3A_104 = arith.constant 0 : i32
      %dma_start3A_105 = tpu.memref_slice %arg6[%mul3A_32, %dma_start3A_104] : memref<10240x48xf32, #tpu.memory_space<vmem_shared>> -> memref<640x48xf32, #tpu.memory_space<vmem_shared>>
      %dma_start3A_106 = arith.constant 0 : i32
      %dma_start3A_107 = arith.constant 0 : i32
      %dma_start3A_108 = tpu.memref_slice %arg4[%run_scoped3A_33, %dma_start3A_106, %dma_start3A_107] : memref<1x640x48xf32, #tpu.memory_space<hbm>> -> memref<1x640x48xf32, #tpu.memory_space<hbm>>
      %dma_start3A_109 = tpu.memref_squeeze %dma_start3A_108 : memref<1x640x48xf32, #tpu.memory_space<hbm>> -> memref<640x48xf32, #tpu.memory_space<hbm>>
      tpu.enqueue_dma source(%dma_start3A_109 : memref<640x48xf32, #tpu.memory_space<hbm>>) target(%dma_start3A_105 : memref<640x48xf32, #tpu.memory_space<vmem_shared>>) target_semaphore(%run_scoped3A_103 : memref<!tpu.dma_semaphore, #tpu.memory_space<semaphore_mem>>)
      %dma_wait3A_110 = arith.constant 0 : i32
      %dma_wait3A_111 = tpu.memref_slice %arg6[%mul3A_32, %dma_wait3A_110] : memref<10240x48xf32, #tpu.memory_space<vmem_shared>> -> memref<640x48xf32, #tpu.memory_space<vmem_shared>>
      %dma_wait3A_112 = arith.constant 0 : i32
      %dma_wait3A_113 = arith.constant 0 : i32
      %dma_wait3A_114 = tpu.memref_slice %arg4[%run_scoped3A_33, %dma_wait3A_112, %dma_wait3A_113] : memref<1x640x48xf32, #tpu.memory_space<hbm>> -> memref<1x640x48xf32, #tpu.memory_space<hbm>>
      %dma_wait3A_115 = tpu.memref_squeeze %dma_wait3A_114 : memref<1x640x48xf32, #tpu.memory_space<hbm>> -> memref<640x48xf32, #tpu.memory_space<hbm>>
      tpu.wait_dma2 semaphore(%run_scoped3A_103 : memref<!tpu.dma_semaphore, #tpu.memory_space<semaphore_mem>>) src(%dma_wait3A_115 : memref<640x48xf32, #tpu.memory_space<hbm>>) dst(%dma_wait3A_111 : memref<640x48xf32, #tpu.memory_space<vmem_shared>>)
      tpu.yield
    }) : () -> ()
    %barrier3A = arith.constant 0 : index
    tpu.barrier barrier_id(%barrier3A)
    %scan3A = arith.constant 0 : i32
    %scan3A_34 = arith.constant 0 : i32
    %scan3A_35 = arith.constant 125 : i32
    %scan3A_36 = arith.addi %scan3A_34, %scan3A_35 : i32
    %scan3A_37 = arith.constant 1 : i32
    scf.for %scan3A_103 = %scan3A_34 to %scan3A_36 step %scan3A_37  : i32 {
      %add3A_104 = arith.constant 2 : i32
      %add3A_105 = arith.addi %scan3A_103, %add3A_104 : i32
      %jit3A = arith.constant 4 : i32
      %eq3A = arith.constant 0 : i32
      %eq3A_106 = arith.cmpi eq, %jit3A, %eq3A : i32
      %jit3A_107 = arith.constant 1 : i32
      %select_n3A = arith.select %eq3A_106, %jit3A_107, %jit3A : i32
      %rem3A = arith.remsi %add3A_105, %select_n3A : i32
      %ne3A = arith.constant 0 : i32
      %ne3A_108 = arith.cmpi ne, %rem3A, %ne3A : i32
      %lt3A = arith.constant 0 : i32
      %lt3A_109 = arith.cmpi slt, %rem3A, %lt3A : i32
      %lt3A_110 = arith.constant 0 : i32
      %lt3A_111 = arith.cmpi slt, %select_n3A, %lt3A_110 : i32
      %ne3A_112 = arith.xori %lt3A_109, %lt3A_111 : i1
      %and3A = arith.andi %ne3A_112, %ne3A_108 : i1
      %add3A_113 = arith.addi %rem3A, %select_n3A : i32
      %select_n3A_114 = arith.select %and3A, %add3A_113, %rem3A : i32
      %lt3A_115 = arith.constant 125 : i32
      %lt3A_116 = arith.cmpi slt, %add3A_105, %lt3A_115 : i32
      %convert_element_type3A = arith.extui %lt3A_116 : i1 to i32
      %cond3A = arith.constant 0 : i32
      %cond3A_117 = arith.cmpi ne, %convert_element_type3A, %cond3A : i32
      scf.if %cond3A_117 {
        %ge3A = arith.constant 2 : i32
        %ge3A_159 = arith.cmpi sge, %scan3A_103, %ge3A : i32
        %convert_element_type3A_160 = arith.extui %ge3A_159 : i1 to i32
        %cond3A_161 = arith.constant 0 : i32
        %cond3A_162 = arith.cmpi ne, %convert_element_type3A_160, %cond3A_161 : i32
        scf.if %cond3A_162 {
          %dma_wait3A_175 = arith.constant 0 : i32
          %dma_wait3A_176 = arith.constant 0 : i32
          %dma_wait3A_177 = arith.constant 0 : i32
          %dma_wait3A_178 = tpu.memref_slice %arg9[%select_n3A_114, %dma_wait3A_176, %dma_wait3A_177] : memref<4x80x48xf32, #tpu.memory_space<vmem>> -> memref<1x80x48xf32, #tpu.memory_space<vmem>>
          %dma_wait3A_179 = tpu.memref_squeeze %dma_wait3A_178 : memref<1x80x48xf32, #tpu.memory_space<vmem>> -> memref<80x48xf32, #tpu.memory_space<vmem>>
          %dma_wait3A_180 = arith.constant 0 : i32
          %dma_wait3A_181 = tpu.memref_slice %arg8[%dma_wait3A_175, %dma_wait3A_180] : memref<125x80xi32, #tpu.memory_space<vmem>> -> memref<1x80xi32, #tpu.memory_space<vmem>>
          %dma_wait3A_182 = tpu.memref_squeeze %dma_wait3A_181 : memref<1x80xi32, #tpu.memory_space<vmem>> -> memref<80xi32, #tpu.memory_space<vmem>>
          %dma_wait3A_183 = arith.constant 0 : i32
          %dma_wait3A_184 = arith.constant 0 : i32
          %dma_wait3A_185 = tpu.memref_slice %arg6[%dma_wait3A_183, %dma_wait3A_184] : memref<10240x48xf32, #tpu.memory_space<vmem_shared>> -> memref<10240x48xf32, #tpu.memory_space<vmem_shared>>
          %dma_wait3A_186 = tpu.memref_slice %arg11[%select_n3A_114] : memref<4x!tpu.dma_semaphore, #tpu.memory_space<semaphore_mem>> -> memref<1x!tpu.dma_semaphore, #tpu.memory_space<semaphore_mem>>
          %dma_wait3A_187 = tpu.memref_squeeze %dma_wait3A_186 : memref<1x!tpu.dma_semaphore, #tpu.memory_space<semaphore_mem>> -> memref<!tpu.dma_semaphore, #tpu.memory_space<semaphore_mem>>
          tpu.wait_indirect_dma semaphore(%dma_wait3A_187 : memref<!tpu.dma_semaphore, #tpu.memory_space<semaphore_mem>>) src(%dma_wait3A_179 : memref<80x48xf32, #tpu.memory_space<vmem>>) dst(%dma_wait3A_185 : memref<10240x48xf32, #tpu.memory_space<vmem_shared>>)
        } else {
        }
        %dma_start3A_163 = arith.constant 0 : i32
        %dma_start3A_164 = arith.constant 0 : i32
        %dma_start3A_165 = tpu.memref_slice %arg9[%select_n3A_114, %dma_start3A_163, %dma_start3A_164] : memref<4x80x48xf32, #tpu.memory_space<vmem>> -> memref<1x80x48xf32, #tpu.memory_space<vmem>>
        %dma_start3A_166 = tpu.memref_squeeze %dma_start3A_165 : memref<1x80x48xf32, #tpu.memory_space<vmem>> -> memref<80x48xf32, #tpu.memory_space<vmem>>
        %dma_start3A_167 = arith.constant 0 : i32
        %dma_start3A_168 = tpu.memref_slice %arg7[%add3A_105, %dma_start3A_167] : memref<125x80xi32, #tpu.memory_space<vmem>> -> memref<1x80xi32, #tpu.memory_space<vmem>>
        %dma_start3A_169 = tpu.memref_squeeze %dma_start3A_168 : memref<1x80xi32, #tpu.memory_space<vmem>> -> memref<80xi32, #tpu.memory_space<vmem>>
        %dma_start3A_170 = arith.constant 0 : i32
        %dma_start3A_171 = arith.constant 0 : i32
        %dma_start3A_172 = tpu.memref_slice %arg2[%dma_start3A_170, %dma_start3A_171] : memref<10000x48xf32, #tpu.memory_space<hbm>> -> memref<10000x48xf32, #tpu.memory_space<hbm>>
        %dma_start3A_173 = tpu.memref_slice %arg10[%select_n3A_114] : memref<4x!tpu.dma_semaphore, #tpu.memory_space<semaphore_mem>> -> memref<1x!tpu.dma_semaphore, #tpu.memory_space<semaphore_mem>>
        %dma_start3A_174 = tpu.memref_squeeze %dma_start3A_173 : memref<1x!tpu.dma_semaphore, #tpu.memory_space<semaphore_mem>> -> memref<!tpu.dma_semaphore, #tpu.memory_space<semaphore_mem>>
        tpu.enqueue_indirect_dma source(%dma_start3A_172 : memref<10000x48xf32, #tpu.memory_space<hbm>>) target(%dma_start3A_166 : memref<80x48xf32, #tpu.memory_space<vmem>>) offsets(%dma_start3A_169 : memref<80xi32, #tpu.memory_space<vmem>>) semaphore(%dma_start3A_174 : memref<!tpu.dma_semaphore, #tpu.memory_space<semaphore_mem>>)
      } else {
      }
      %jit3A_118 = arith.constant 4 : i32
      %eq3A_119 = arith.constant 0 : i32
      %eq3A_120 = arith.cmpi eq, %jit3A_118, %eq3A_119 : i32
      %jit3A_121 = arith.constant 1 : i32
      %select_n3A_122 = arith.select %eq3A_120, %jit3A_121, %jit3A_118 : i32
      %rem3A_123 = arith.remsi %scan3A_103, %select_n3A_122 : i32
      %ne3A_124 = arith.constant 0 : i32
      %ne3A_125 = arith.cmpi ne, %rem3A_123, %ne3A_124 : i32
      %lt3A_126 = arith.constant 0 : i32
      %lt3A_127 = arith.cmpi slt, %rem3A_123, %lt3A_126 : i32
      %lt3A_128 = arith.constant 0 : i32
      %lt3A_129 = arith.cmpi slt, %select_n3A_122, %lt3A_128 : i32
      %ne3A_130 = arith.xori %lt3A_127, %lt3A_129 : i1
      %and3A_131 = arith.andi %ne3A_130, %ne3A_125 : i1
      %add3A_132 = arith.addi %rem3A_123, %select_n3A_122 : i32
      %select_n3A_133 = arith.select %and3A_131, %add3A_132, %rem3A_123 : i32
      %dma_wait3A_134 = arith.constant 0 : i32
      %dma_wait3A_135 = arith.constant 0 : i32
      %dma_wait3A_136 = arith.constant 0 : i32
      %dma_wait3A_137 = tpu.memref_slice %arg9[%select_n3A_133, %dma_wait3A_135, %dma_wait3A_136] : memref<4x80x48xf32, #tpu.memory_space<vmem>> -> memref<1x80x48xf32, #tpu.memory_space<vmem>>
      %dma_wait3A_138 = tpu.memref_squeeze %dma_wait3A_137 : memref<1x80x48xf32, #tpu.memory_space<vmem>> -> memref<80x48xf32, #tpu.memory_space<vmem>>
      %dma_wait3A_139 = arith.constant 0 : i32
      %dma_wait3A_140 = tpu.memref_slice %arg7[%dma_wait3A_134, %dma_wait3A_139] : memref<125x80xi32, #tpu.memory_space<vmem>> -> memref<1x80xi32, #tpu.memory_space<vmem>>
      %dma_wait3A_141 = tpu.memref_squeeze %dma_wait3A_140 : memref<1x80xi32, #tpu.memory_space<vmem>> -> memref<80xi32, #tpu.memory_space<vmem>>
      %dma_wait3A_142 = arith.constant 0 : i32
      %dma_wait3A_143 = arith.constant 0 : i32
      %dma_wait3A_144 = tpu.memref_slice %arg2[%dma_wait3A_142, %dma_wait3A_143] : memref<10000x48xf32, #tpu.memory_space<hbm>> -> memref<10000x48xf32, #tpu.memory_space<hbm>>
      %dma_wait3A_145 = tpu.memref_slice %arg10[%select_n3A_133] : memref<4x!tpu.dma_semaphore, #tpu.memory_space<semaphore_mem>> -> memref<1x!tpu.dma_semaphore, #tpu.memory_space<semaphore_mem>>
      %dma_wait3A_146 = tpu.memref_squeeze %dma_wait3A_145 : memref<1x!tpu.dma_semaphore, #tpu.memory_space<semaphore_mem>> -> memref<!tpu.dma_semaphore, #tpu.memory_space<semaphore_mem>>
      tpu.wait_indirect_dma semaphore(%dma_wait3A_146 : memref<!tpu.dma_semaphore, #tpu.memory_space<semaphore_mem>>) src(%dma_wait3A_144 : memref<10000x48xf32, #tpu.memory_space<hbm>>) dst(%dma_wait3A_138 : memref<80x48xf32, #tpu.memory_space<vmem>>)
      %dma_start3A_147 = arith.constant 0 : i32
      %dma_start3A_148 = arith.constant 0 : i32
      %dma_start3A_149 = tpu.memref_slice %arg9[%select_n3A_133, %dma_start3A_147, %dma_start3A_148] : memref<4x80x48xf32, #tpu.memory_space<vmem>> -> memref<1x80x48xf32, #tpu.memory_space<vmem>>
      %dma_start3A_150 = tpu.memref_squeeze %dma_start3A_149 : memref<1x80x48xf32, #tpu.memory_space<vmem>> -> memref<80x48xf32, #tpu.memory_space<vmem>>
      %dma_start3A_151 = arith.constant 0 : i32
      %dma_start3A_152 = tpu.memref_slice %arg8[%scan3A_103, %dma_start3A_151] : memref<125x80xi32, #tpu.memory_space<vmem>> -> memref<1x80xi32, #tpu.memory_space<vmem>>
      %dma_start3A_153 = tpu.memref_squeeze %dma_start3A_152 : memref<1x80xi32, #tpu.memory_space<vmem>> -> memref<80xi32, #tpu.memory_space<vmem>>
      %dma_start3A_154 = arith.constant 0 : i32
      %dma_start3A_155 = arith.constant 0 : i32
      %dma_start3A_156 = tpu.memref_slice %arg6[%dma_start3A_154, %dma_start3A_155] : memref<10240x48xf32, #tpu.memory_space<vmem_shared>> -> memref<10240x48xf32, #tpu.memory_space<vmem_shared>>
      %dma_start3A_157 = tpu.memref_slice %arg11[%select_n3A_133] : memref<4x!tpu.dma_semaphore, #tpu.memory_space<semaphore_mem>> -> memref<1x!tpu.dma_semaphore, #tpu.memory_space<semaphore_mem>>
      %dma_start3A_158 = tpu.memref_squeeze %dma_start3A_157 : memref<1x!tpu.dma_semaphore, #tpu.memory_space<semaphore_mem>> -> memref<!tpu.dma_semaphore, #tpu.memory_space<semaphore_mem>>
      tpu.enqueue_indirect_dma source(%dma_start3A_150 : memref<80x48xf32, #tpu.memory_space<vmem>>) target(%dma_start3A_156 : memref<10240x48xf32, #tpu.memory_space<vmem_shared>>) offsets(%dma_start3A_153 : memref<80xi32, #tpu.memory_space<vmem>>) semaphore(%dma_start3A_158 : memref<!tpu.dma_semaphore, #tpu.memory_space<semaphore_mem>>) {add = true}
    }
    %scan3A_38 = arith.constant 125 : i32
    %dma_wait3A = arith.constant 0 : i32
    %dma_wait3A_39 = arith.constant 0 : i32
    %dma_wait3A_40 = arith.constant 0 : i32
    %dma_wait3A_41 = arith.constant 0 : i32
    %dma_wait3A_42 = arith.constant 0 : i32
    %dma_wait3A_43 = tpu.memref_slice %arg9[%dma_wait3A, %dma_wait3A_41, %dma_wait3A_42] : memref<4x80x48xf32, #tpu.memory_space<vmem>> -> memref<1x80x48xf32, #tpu.memory_space<vmem>>
    %dma_wait3A_44 = tpu.memref_squeeze %dma_wait3A_43 : memref<1x80x48xf32, #tpu.memory_space<vmem>> -> memref<80x48xf32, #tpu.memory_space<vmem>>
    %dma_wait3A_45 = arith.constant 0 : i32
    %dma_wait3A_46 = tpu.memref_slice %arg8[%dma_wait3A_39, %dma_wait3A_45] : memref<125x80xi32, #tpu.memory_space<vmem>> -> memref<1x80xi32, #tpu.memory_space<vmem>>
    %dma_wait3A_47 = tpu.memref_squeeze %dma_wait3A_46 : memref<1x80xi32, #tpu.memory_space<vmem>> -> memref<80xi32, #tpu.memory_space<vmem>>
    %dma_wait3A_48 = arith.constant 0 : i32
    %dma_wait3A_49 = arith.constant 0 : i32
    %dma_wait3A_50 = tpu.memref_slice %arg6[%dma_wait3A_48, %dma_wait3A_49] : memref<10240x48xf32, #tpu.memory_space<vmem_shared>> -> memref<10240x48xf32, #tpu.memory_space<vmem_shared>>
    %dma_wait3A_51 = tpu.memref_slice %arg11[%dma_wait3A_40] : memref<4x!tpu.dma_semaphore, #tpu.memory_space<semaphore_mem>> -> memref<1x!tpu.dma_semaphore, #tpu.memory_space<semaphore_mem>>
    %dma_wait3A_52 = tpu.memref_squeeze %dma_wait3A_51 : memref<1x!tpu.dma_semaphore, #tpu.memory_space<semaphore_mem>> -> memref<!tpu.dma_semaphore, #tpu.memory_space<semaphore_mem>>
    tpu.wait_indirect_dma semaphore(%dma_wait3A_52 : memref<!tpu.dma_semaphore, #tpu.memory_space<semaphore_mem>>) src(%dma_wait3A_44 : memref<80x48xf32, #tpu.memory_space<vmem>>) dst(%dma_wait3A_50 : memref<10240x48xf32, #tpu.memory_space<vmem_shared>>)
    %dma_wait3A_53 = arith.constant 1 : i32
    %dma_wait3A_54 = arith.constant 0 : i32
    %dma_wait3A_55 = arith.constant 1 : i32
    %dma_wait3A_56 = arith.constant 0 : i32
    %dma_wait3A_57 = arith.constant 0 : i32
    %dma_wait3A_58 = tpu.memref_slice %arg9[%dma_wait3A_53, %dma_wait3A_56, %dma_wait3A_57] : memref<4x80x48xf32, #tpu.memory_space<vmem>> -> memref<1x80x48xf32, #tpu.memory_space<vmem>>
    %dma_wait3A_59 = tpu.memref_squeeze %dma_wait3A_58 : memref<1x80x48xf32, #tpu.memory_space<vmem>> -> memref<80x48xf32, #tpu.memory_space<vmem>>
    %dma_wait3A_60 = arith.constant 0 : i32
    %dma_wait3A_61 = tpu.memref_slice %arg8[%dma_wait3A_54, %dma_wait3A_60] : memref<125x80xi32, #tpu.memory_space<vmem>> -> memref<1x80xi32, #tpu.memory_space<vmem>>
    %dma_wait3A_62 = tpu.memref_squeeze %dma_wait3A_61 : memref<1x80xi32, #tpu.memory_space<vmem>> -> memref<80xi32, #tpu.memory_space<vmem>>
    %dma_wait3A_63 = arith.constant 0 : i32
    %dma_wait3A_64 = arith.constant 0 : i32
    %dma_wait3A_65 = tpu.memref_slice %arg6[%dma_wait3A_63, %dma_wait3A_64] : memref<10240x48xf32, #tpu.memory_space<vmem_shared>> -> memref<10240x48xf32, #tpu.memory_space<vmem_shared>>
    %dma_wait3A_66 = tpu.memref_slice %arg11[%dma_wait3A_55] : memref<4x!tpu.dma_semaphore, #tpu.memory_space<semaphore_mem>> -> memref<1x!tpu.dma_semaphore, #tpu.memory_space<semaphore_mem>>
    %dma_wait3A_67 = tpu.memref_squeeze %dma_wait3A_66 : memref<1x!tpu.dma_semaphore, #tpu.memory_space<semaphore_mem>> -> memref<!tpu.dma_semaphore, #tpu.memory_space<semaphore_mem>>
    tpu.wait_indirect_dma semaphore(%dma_wait3A_67 : memref<!tpu.dma_semaphore, #tpu.memory_space<semaphore_mem>>) src(%dma_wait3A_59 : memref<80x48xf32, #tpu.memory_space<vmem>>) dst(%dma_wait3A_65 : memref<10240x48xf32, #tpu.memory_space<vmem_shared>>)
    %dma_wait3A_68 = arith.constant 2 : i32
    %dma_wait3A_69 = arith.constant 0 : i32
    %dma_wait3A_70 = arith.constant 2 : i32
    %dma_wait3A_71 = arith.constant 0 : i32
    %dma_wait3A_72 = arith.constant 0 : i32
    %dma_wait3A_73 = tpu.memref_slice %arg9[%dma_wait3A_68, %dma_wait3A_71, %dma_wait3A_72] : memref<4x80x48xf32, #tpu.memory_space<vmem>> -> memref<1x80x48xf32, #tpu.memory_space<vmem>>
    %dma_wait3A_74 = tpu.memref_squeeze %dma_wait3A_73 : memref<1x80x48xf32, #tpu.memory_space<vmem>> -> memref<80x48xf32, #tpu.memory_space<vmem>>
    %dma_wait3A_75 = arith.constant 0 : i32
    %dma_wait3A_76 = tpu.memref_slice %arg8[%dma_wait3A_69, %dma_wait3A_75] : memref<125x80xi32, #tpu.memory_space<vmem>> -> memref<1x80xi32, #tpu.memory_space<vmem>>
    %dma_wait3A_77 = tpu.memref_squeeze %dma_wait3A_76 : memref<1x80xi32, #tpu.memory_space<vmem>> -> memref<80xi32, #tpu.memory_space<vmem>>
    %dma_wait3A_78 = arith.constant 0 : i32
    %dma_wait3A_79 = arith.constant 0 : i32
    %dma_wait3A_80 = tpu.memref_slice %arg6[%dma_wait3A_78, %dma_wait3A_79] : memref<10240x48xf32, #tpu.memory_space<vmem_shared>> -> memref<10240x48xf32, #tpu.memory_space<vmem_shared>>
    %dma_wait3A_81 = tpu.memref_slice %arg11[%dma_wait3A_70] : memref<4x!tpu.dma_semaphore, #tpu.memory_space<semaphore_mem>> -> memref<1x!tpu.dma_semaphore, #tpu.memory_space<semaphore_mem>>
    %dma_wait3A_82 = tpu.memref_squeeze %dma_wait3A_81 : memref<1x!tpu.dma_semaphore, #tpu.memory_space<semaphore_mem>> -> memref<!tpu.dma_semaphore, #tpu.memory_space<semaphore_mem>>
    tpu.wait_indirect_dma semaphore(%dma_wait3A_82 : memref<!tpu.dma_semaphore, #tpu.memory_space<semaphore_mem>>) src(%dma_wait3A_74 : memref<80x48xf32, #tpu.memory_space<vmem>>) dst(%dma_wait3A_80 : memref<10240x48xf32, #tpu.memory_space<vmem_shared>>)
    %dma_wait3A_83 = arith.constant 3 : i32
    %dma_wait3A_84 = arith.constant 0 : i32
    %dma_wait3A_85 = arith.constant 3 : i32
    %dma_wait3A_86 = arith.constant 0 : i32
    %dma_wait3A_87 = arith.constant 0 : i32
    %dma_wait3A_88 = tpu.memref_slice %arg9[%dma_wait3A_83, %dma_wait3A_86, %dma_wait3A_87] : memref<4x80x48xf32, #tpu.memory_space<vmem>> -> memref<1x80x48xf32, #tpu.memory_space<vmem>>
    %dma_wait3A_89 = tpu.memref_squeeze %dma_wait3A_88 : memref<1x80x48xf32, #tpu.memory_space<vmem>> -> memref<80x48xf32, #tpu.memory_space<vmem>>
    %dma_wait3A_90 = arith.constant 0 : i32
    %dma_wait3A_91 = tpu.memref_slice %arg8[%dma_wait3A_84, %dma_wait3A_90] : memref<125x80xi32, #tpu.memory_space<vmem>> -> memref<1x80xi32, #tpu.memory_space<vmem>>
    %dma_wait3A_92 = tpu.memref_squeeze %dma_wait3A_91 : memref<1x80xi32, #tpu.memory_space<vmem>> -> memref<80xi32, #tpu.memory_space<vmem>>
    %dma_wait3A_93 = arith.constant 0 : i32
    %dma_wait3A_94 = arith.constant 0 : i32
    %dma_wait3A_95 = tpu.memref_slice %arg6[%dma_wait3A_93, %dma_wait3A_94] : memref<10240x48xf32, #tpu.memory_space<vmem_shared>> -> memref<10240x48xf32, #tpu.memory_space<vmem_shared>>
    %dma_wait3A_96 = tpu.memref_slice %arg11[%dma_wait3A_85] : memref<4x!tpu.dma_semaphore, #tpu.memory_space<semaphore_mem>> -> memref<1x!tpu.dma_semaphore, #tpu.memory_space<semaphore_mem>>
    %dma_wait3A_97 = tpu.memref_squeeze %dma_wait3A_96 : memref<1x!tpu.dma_semaphore, #tpu.memory_space<semaphore_mem>> -> memref<!tpu.dma_semaphore, #tpu.memory_space<semaphore_mem>>
    tpu.wait_indirect_dma semaphore(%dma_wait3A_97 : memref<!tpu.dma_semaphore, #tpu.memory_space<semaphore_mem>>) src(%dma_wait3A_89 : memref<80x48xf32, #tpu.memory_space<vmem>>) dst(%dma_wait3A_95 : memref<10240x48xf32, #tpu.memory_space<vmem_shared>>)
    %barrier3A_98 = arith.constant 0 : index
    tpu.barrier barrier_id(%barrier3A_98)
    %mul3A_99 = arith.constant 640 : i32
    %mul3A_100 = arith.muli %arg1, %mul3A_99 : i32
    %mul3A_101 = arith.constant 640 : i32
    %mul3A_102 = arith.muli %arg1, %mul3A_101 : i32
    "tpu.region"() ({
      %run_scoped3A_103 = tpu.sem_alloc : memref<!tpu.dma_semaphore, #tpu.memory_space<semaphore_mem>>
      %dma_start3A_104 = arith.constant 0 : i32
      %dma_start3A_105 = tpu.memref_slice %arg5[%arg0, %mul3A_102, %dma_start3A_104] : memref<2x10240x48xf32, #tpu.memory_space<hbm>> -> memref<1x640x48xf32, #tpu.memory_space<hbm>>
      %dma_start3A_106 = tpu.memref_squeeze %dma_start3A_105 : memref<1x640x48xf32, #tpu.memory_space<hbm>> -> memref<640x48xf32, #tpu.memory_space<hbm>>
      %dma_start3A_107 = arith.constant 0 : i32
      %dma_start3A_108 = tpu.memref_slice %arg6[%mul3A_100, %dma_start3A_107] : memref<10240x48xf32, #tpu.memory_space<vmem_shared>> -> memref<640x48xf32, #tpu.memory_space<vmem_shared>>
      tpu.enqueue_dma source(%dma_start3A_108 : memref<640x48xf32, #tpu.memory_space<vmem_shared>>) target(%dma_start3A_106 : memref<640x48xf32, #tpu.memory_space<hbm>>) target_semaphore(%run_scoped3A_103 : memref<!tpu.dma_semaphore, #tpu.memory_space<semaphore_mem>>)
      %dma_wait3A_109 = arith.constant 0 : i32
      %dma_wait3A_110 = tpu.memref_slice %arg5[%arg0, %mul3A_102, %dma_wait3A_109] : memref<2x10240x48xf32, #tpu.memory_space<hbm>> -> memref<1x640x48xf32, #tpu.memory_space<hbm>>
      %dma_wait3A_111 = tpu.memref_squeeze %dma_wait3A_110 : memref<1x640x48xf32, #tpu.memory_space<hbm>> -> memref<640x48xf32, #tpu.memory_space<hbm>>
      %dma_wait3A_112 = arith.constant 0 : i32
      %dma_wait3A_113 = tpu.memref_slice %arg6[%mul3A_100, %dma_wait3A_112] : memref<10240x48xf32, #tpu.memory_space<vmem_shared>> -> memref<640x48xf32, #tpu.memory_space<vmem_shared>>
      tpu.wait_dma2 semaphore(%run_scoped3A_103 : memref<!tpu.dma_semaphore, #tpu.memory_space<semaphore_mem>>) src(%dma_wait3A_113 : memref<640x48xf32, #tpu.memory_space<vmem_shared>>) dst(%dma_wait3A_111 : memref<640x48xf32, #tpu.memory_space<hbm>>)
      tpu.yield
    }) : () -> ()
    return
  }
}

module attributes {stable_mosaic.version = 14 : i64} {
  func.func @_dense1_body(%arg0: i32, %arg1: memref<1x2048x128xf32, #tpu.memory_space<vmem>>, %arg2: memref<1x2048x128xf32, #tpu.memory_space<vmem>>, %arg3: memref<32x2048xf32, #tpu.memory_space<vmem>>, %arg4: memref<32x2048xf32, #tpu.memory_space<vmem>>, %arg5: memref<128x128xf32, #tpu.memory_space<vmem>>, %arg6: memref<1x128xf32, #tpu.memory_space<vmem>>, %arg7: memref<128x48xf32, #tpu.memory_space<vmem>>, %arg8: memref<2048x128xf32, #tpu.memory_space<vmem>>, %arg9: memref<2048x48xf32, #tpu.memory_space<vmem>>) attributes {dimension_semantics = [#tpu.dimension_semantics<arbitrary>], iteration_bounds = array<i64: 5>, scalar_prefetch = 0 : i64, scratch_operands = 0 : i64, tpu.core_type = #tpu.core_type<tc>, window_params = [{transform_indices = @transform_0, window_bounds = array<i64: 1, 2048, 128>}, {transform_indices = @transform_1, window_bounds = array<i64: 1, 2048, 128>}, {transform_indices = @transform_2, window_bounds = array<i64: 32, 2048>}, {transform_indices = @transform_3, window_bounds = array<i64: 32, 2048>}, {pipeline_mode = #tpu.pipeline_mode<synchronous>, transform_indices = @transform_4, window_bounds = array<i64: 128, 128>}, {pipeline_mode = #tpu.pipeline_mode<synchronous>, transform_indices = @transform_5, window_bounds = array<i64: 1, 128>}, {pipeline_mode = #tpu.pipeline_mode<synchronous>, transform_indices = @transform_6, window_bounds = array<i64: 128, 48>}, {transform_indices = @transform_7, window_bounds = array<i64: 2048, 128>}, {transform_indices = @transform_8, window_bounds = array<i64: 2048, 48>}]} {
    %get3A = arith.constant 0 : index
    %get3A_0 = arith.constant 0 : index
    %get3A_1 = vector.load %arg3[%get3A, %get3A_0] : memref<32x2048xf32, #tpu.memory_space<vmem>>, vector<32x2048xf32>
    %reduce_sum3A = arith.constant dense<0.000000e+00> : vector<2048xf32>
    %reduce_sum3A_2 = vector.multi_reduction <add>, %get3A_1, %reduce_sum3A [0] : vector<32x2048xf32> to vector<2048xf32>
    %max3A = arith.constant 1.000000e+00 : f32
    %max3A_3 = vector.broadcast %max3A : f32 to vector<2048xf32>
    %max3A_4 = arith.maximumf %reduce_sum3A_2, %max3A_3 : vector<2048xf32>
    %rsqrt3A = math.rsqrt %max3A_4 : vector<2048xf32>
    %get3A_5 = arith.constant 0 : index
    %get3A_6 = arith.constant 0 : index
    %get3A_7 = vector.load %arg4[%get3A_5, %get3A_6] : memref<32x2048xf32, #tpu.memory_space<vmem>>, vector<32x2048xf32>
    %reduce_sum3A_8 = arith.constant dense<0.000000e+00> : vector<2048xf32>
    %reduce_sum3A_9 = vector.multi_reduction <add>, %get3A_7, %reduce_sum3A_8 [0] : vector<32x2048xf32> to vector<2048xf32>
    %max3A_10 = arith.constant 1.000000e+00 : f32
    %max3A_11 = vector.broadcast %max3A_10 : f32 to vector<2048xf32>
    %max3A_12 = arith.maximumf %reduce_sum3A_9, %max3A_11 : vector<2048xf32>
    %rsqrt3A_13 = math.rsqrt %max3A_12 : vector<2048xf32>
    %get3A_14 = arith.constant 0 : index
    %get3A_15 = arith.constant 0 : index
    %get3A_16 = arith.constant 0 : index
    %get3A_17 = vector.load %arg1[%get3A_14, %get3A_15, %get3A_16] : memref<1x2048x128xf32, #tpu.memory_space<vmem>>, vector<1x2048x128xf32>
    %get3A_18 = vector.shape_cast %get3A_17 : vector<1x2048x128xf32> to vector<2048x128xf32>
    %get3A_19 = arith.constant 0 : index
    %get3A_20 = arith.constant 0 : index
    %get3A_21 = arith.constant 0 : index
    %get3A_22 = vector.load %arg2[%get3A_19, %get3A_20, %get3A_21] : memref<1x2048x128xf32, #tpu.memory_space<vmem>>, vector<1x2048x128xf32>
    %get3A_23 = vector.shape_cast %get3A_22 : vector<1x2048x128xf32> to vector<2048x128xf32>
    %add3A = arith.addf %get3A_18, %get3A_23 : vector<2048x128xf32>
    %broadcast_in_dim3A = vector.shape_cast %rsqrt3A : vector<2048xf32> to vector<2048x1xf32>
    %mul3A = vector.broadcast %broadcast_in_dim3A : vector<2048x1xf32> to vector<2048x128xf32>
    %mul3A_24 = arith.mulf %add3A, %mul3A : vector<2048x128xf32>
    %get3A_25 = arith.constant 0 : index
    %get3A_26 = arith.constant 0 : index
    %get3A_27 = vector.load %arg5[%get3A_25, %get3A_26] : memref<128x128xf32, #tpu.memory_space<vmem>>, vector<128x128xf32>
    %dot_general3A = arith.constant dense<0.000000e+00> : vector<2048x128xf32>
    %dot_general3A_28 = tpu.matmul %mul3A_24, %get3A_27, %dot_general3A {dimension_numbers = #tpu.dot_dimension_numbers<[1], [0], [0], [1], [0, 0, 1, 1], [], []>, transpose_lhs_hint = false} : vector<2048x128xf32>, vector<128x128xf32>, vector<2048x128xf32> -> vector<2048x128xf32>
    %get3A_29 = arith.constant 0 : index
    %get3A_30 = arith.constant 0 : index
    %get3A_31 = vector.load %arg6[%get3A_29, %get3A_30] : memref<1x128xf32, #tpu.memory_space<vmem>>, vector<1x128xf32>
    %add3A_32 = vector.broadcast %get3A_31 : vector<1x128xf32> to vector<2048x128xf32>
    %add3A_33 = arith.addf %dot_general3A_28, %add3A_32 : vector<2048x128xf32>
    %max3A_34 = arith.constant 0.000000e+00 : f32
    %max3A_35 = vector.broadcast %max3A_34 : f32 to vector<2048x128xf32>
    %max3A_36 = arith.maximumf %add3A_33, %max3A_35 : vector<2048x128xf32>
    %swap3A = arith.constant 0 : index
    %swap3A_37 = arith.constant 0 : index
    %swap3A_38 = vector.load %arg8[%swap3A, %swap3A_37] : memref<2048x128xf32, #tpu.memory_space<vmem>>, vector<2048x128xf32>
    tpu.vector_store %arg8[%swap3A, %swap3A_37], %max3A_36 {strides = array<i32>} : memref<2048x128xf32, #tpu.memory_space<vmem>>, vector<2048x128xf32>,
    %broadcast_in_dim3A_39 = vector.shape_cast %rsqrt3A_13 : vector<2048xf32> to vector<2048x1xf32>
    %mul3A_40 = vector.broadcast %broadcast_in_dim3A_39 : vector<2048x1xf32> to vector<2048x128xf32>
    %mul3A_41 = arith.mulf %max3A_36, %mul3A_40 : vector<2048x128xf32>
    %get3A_42 = arith.constant 0 : index
    %get3A_43 = arith.constant 0 : index
    %get3A_44 = vector.load %arg7[%get3A_42, %get3A_43] : memref<128x48xf32, #tpu.memory_space<vmem>>, vector<128x48xf32>
    %dot_general3A_45 = arith.constant dense<0.000000e+00> : vector<2048x48xf32>
    %dot_general3A_46 = tpu.matmul %mul3A_41, %get3A_44, %dot_general3A_45 {dimension_numbers = #tpu.dot_dimension_numbers<[1], [0], [0], [1], [0, 0, 1, 1], [], []>, transpose_lhs_hint = false} : vector<2048x128xf32>, vector<128x48xf32>, vector<2048x48xf32> -> vector<2048x48xf32>
    %swap3A_47 = arith.constant 0 : index
    %swap3A_48 = arith.constant 0 : index
    %swap3A_49 = vector.load %arg9[%swap3A_47, %swap3A_48] : memref<2048x48xf32, #tpu.memory_space<vmem>>, vector<2048x48xf32>
    tpu.vector_store %arg9[%swap3A_47, %swap3A_48], %dot_general3A_46 {strides = array<i32>} : memref<2048x48xf32, #tpu.memory_space<vmem>>, vector<2048x48xf32>,
    return
  }
  func.func @transform_0(%arg0: i32) -> (i32, i32, i32) {
    %c0_i32 = arith.constant 0 : i32
    %c0_i32_0 = arith.constant 0 : i32
    %c0_i32_1 = arith.constant 0 : i32
    return %c0_i32, %arg0, %c0_i32_0 : i32, i32, i32
  }
  func.func @transform_1(%arg0: i32) -> (i32, i32, i32) {
    %c1_i32 = arith.constant 1 : i32
    %c0_i32 = arith.constant 0 : i32
    %c0_i32_0 = arith.constant 0 : i32
    return %c1_i32, %arg0, %c0_i32 : i32, i32, i32
  }
  func.func @transform_2(%arg0: i32) -> (i32, i32) {
    %c0_i32 = arith.constant 0 : i32
    %c0_i32_0 = arith.constant 0 : i32
    return %c0_i32, %arg0 : i32, i32
  }
  func.func @transform_3(%arg0: i32) -> (i32, i32) {
    %c0_i32 = arith.constant 0 : i32
    %c0_i32_0 = arith.constant 0 : i32
    return %c0_i32, %arg0 : i32, i32
  }
  func.func @transform_4(%arg0: i32) -> (i32, i32) {
    %c0_i32 = arith.constant 0 : i32
    %c0_i32_0 = arith.constant 0 : i32
    %c0_i32_1 = arith.constant 0 : i32
    return %c0_i32, %c0_i32_0 : i32, i32
  }
  func.func @transform_5(%arg0: i32) -> (i32, i32) {
    %c0_i32 = arith.constant 0 : i32
    %c0_i32_0 = arith.constant 0 : i32
    %c0_i32_1 = arith.constant 0 : i32
    return %c0_i32, %c0_i32_0 : i32, i32
  }
  func.func @transform_6(%arg0: i32) -> (i32, i32) {
    %c0_i32 = arith.constant 0 : i32
    %c0_i32_0 = arith.constant 0 : i32
    %c0_i32_1 = arith.constant 0 : i32
    return %c0_i32, %c0_i32_0 : i32, i32
  }
  func.func @transform_7(%arg0: i32) -> (i32, i32) {
    %c0_i32 = arith.constant 0 : i32
    %c0_i32_0 = arith.constant 0 : i32
    return %arg0, %c0_i32 : i32, i32
  }
  func.func @transform_8(%arg0: i32) -> (i32, i32) {
    %c0_i32 = arith.constant 0 : i32
    %c0_i32_0 = arith.constant 0 : i32
    return %arg0, %c0_i32 : i32, i32
  }
}

module attributes {stable_mosaic.version = 14 : i64} {
  func.func @_scale_body(%arg0: i32, %arg1: memref<2048x128xf32, #tpu.memory_space<vmem>>, %arg2: memref<32x2048xf32, #tpu.memory_space<vmem>>, %arg3: memref<2048x128xf32, #tpu.memory_space<vmem>>) attributes {dimension_semantics = [#tpu.dimension_semantics<arbitrary>], iteration_bounds = array<i64: 5>, scalar_prefetch = 0 : i64, scratch_operands = 0 : i64, tpu.core_type = #tpu.core_type<tc>, window_params = [{transform_indices = @transform_0, window_bounds = array<i64: 2048, 128>}, {transform_indices = @transform_1, window_bounds = array<i64: 32, 2048>}, {transform_indices = @transform_2, window_bounds = array<i64: 2048, 128>}]} {
    %get3A = arith.constant 0 : index
    %get3A_0 = arith.constant 0 : index
    %get3A_1 = vector.load %arg2[%get3A, %get3A_0] : memref<32x2048xf32, #tpu.memory_space<vmem>>, vector<32x2048xf32>
    %reduce_sum3A = arith.constant dense<0.000000e+00> : vector<2048xf32>
    %reduce_sum3A_2 = vector.multi_reduction <add>, %get3A_1, %reduce_sum3A [0] : vector<32x2048xf32> to vector<2048xf32>
    %max3A = arith.constant 1.000000e+00 : f32
    %max3A_3 = vector.broadcast %max3A : f32 to vector<2048xf32>
    %max3A_4 = arith.maximumf %reduce_sum3A_2, %max3A_3 : vector<2048xf32>
    %rsqrt3A = math.rsqrt %max3A_4 : vector<2048xf32>
    %get3A_5 = arith.constant 0 : index
    %get3A_6 = arith.constant 0 : index
    %get3A_7 = vector.load %arg1[%get3A_5, %get3A_6] : memref<2048x128xf32, #tpu.memory_space<vmem>>, vector<2048x128xf32>
    %broadcast_in_dim3A = vector.shape_cast %rsqrt3A : vector<2048xf32> to vector<2048x1xf32>
    %mul3A = vector.broadcast %broadcast_in_dim3A : vector<2048x1xf32> to vector<2048x128xf32>
    %mul3A_8 = arith.mulf %get3A_7, %mul3A : vector<2048x128xf32>
    %swap3A = arith.constant 0 : index
    %swap3A_9 = arith.constant 0 : index
    %swap3A_10 = vector.load %arg3[%swap3A, %swap3A_9] : memref<2048x128xf32, #tpu.memory_space<vmem>>, vector<2048x128xf32>
    tpu.vector_store %arg3[%swap3A, %swap3A_9], %mul3A_8 {strides = array<i32>} : memref<2048x128xf32, #tpu.memory_space<vmem>>, vector<2048x128xf32>,
    return
  }
  func.func @transform_0(%arg0: i32) -> (i32, i32) {
    %c0_i32 = arith.constant 0 : i32
    %c0_i32_0 = arith.constant 0 : i32
    return %arg0, %c0_i32 : i32, i32
  }
  func.func @transform_1(%arg0: i32) -> (i32, i32) {
    %c0_i32 = arith.constant 0 : i32
    %c0_i32_0 = arith.constant 0 : i32
    return %c0_i32, %arg0 : i32, i32
  }
  func.func @transform_2(%arg0: i32) -> (i32, i32) {
    %c0_i32 = arith.constant 0 : i32
    %c0_i32_0 = arith.constant 0 : i32
    return %arg0, %c0_i32 : i32, i32
  }
}

module attributes {stable_mosaic.version = 14 : i64} {
  func.func @_dense2_body(%arg0: i32, %arg1: memref<1x2048x48xf32, #tpu.memory_space<vmem>>, %arg2: memref<1x2048x48xf32, #tpu.memory_space<vmem>>, %arg3: memref<32x2048xf32, #tpu.memory_space<vmem>>, %arg4: memref<1x48xf32, #tpu.memory_space<vmem>>, %arg5: memref<2048x40xf32, #tpu.memory_space<vmem>>, %arg6: memref<2048x40xf32, #tpu.memory_space<vmem>>) attributes {dimension_semantics = [#tpu.dimension_semantics<arbitrary>], iteration_bounds = array<i64: 5>, scalar_prefetch = 0 : i64, scratch_operands = 0 : i64, tpu.core_type = #tpu.core_type<tc>, window_params = [{transform_indices = @transform_0, window_bounds = array<i64: 1, 2048, 48>}, {transform_indices = @transform_1, window_bounds = array<i64: 1, 2048, 48>}, {transform_indices = @transform_2, window_bounds = array<i64: 32, 2048>}, {pipeline_mode = #tpu.pipeline_mode<synchronous>, transform_indices = @transform_3, window_bounds = array<i64: 1, 48>}, {transform_indices = @transform_4, window_bounds = array<i64: 2048, 40>}, {transform_indices = @transform_5, window_bounds = array<i64: 2048, 40>}]} {
    %get3A = arith.constant 0 : index
    %get3A_0 = arith.constant 0 : index
    %get3A_1 = vector.load %arg3[%get3A, %get3A_0] : memref<32x2048xf32, #tpu.memory_space<vmem>>, vector<32x2048xf32>
    %reduce_sum3A = arith.constant dense<0.000000e+00> : vector<2048xf32>
    %reduce_sum3A_2 = vector.multi_reduction <add>, %get3A_1, %reduce_sum3A [0] : vector<32x2048xf32> to vector<2048xf32>
    %max3A = arith.constant 1.000000e+00 : f32
    %max3A_3 = vector.broadcast %max3A : f32 to vector<2048xf32>
    %max3A_4 = arith.maximumf %reduce_sum3A_2, %max3A_3 : vector<2048xf32>
    %rsqrt3A = math.rsqrt %max3A_4 : vector<2048xf32>
    %get3A_5 = arith.constant 0 : index
    %get3A_6 = arith.constant 0 : index
    %get3A_7 = arith.constant 0 : index
    %get3A_8 = vector.load %arg1[%get3A_5, %get3A_6, %get3A_7] : memref<1x2048x48xf32, #tpu.memory_space<vmem>>, vector<1x2048x48xf32>
    %get3A_9 = vector.shape_cast %get3A_8 : vector<1x2048x48xf32> to vector<2048x48xf32>
    %get3A_10 = arith.constant 0 : index
    %get3A_11 = arith.constant 0 : index
    %get3A_12 = arith.constant 0 : index
    %get3A_13 = vector.load %arg2[%get3A_10, %get3A_11, %get3A_12] : memref<1x2048x48xf32, #tpu.memory_space<vmem>>, vector<1x2048x48xf32>
    %get3A_14 = vector.shape_cast %get3A_13 : vector<1x2048x48xf32> to vector<2048x48xf32>
    %add3A = arith.addf %get3A_9, %get3A_14 : vector<2048x48xf32>
    %broadcast_in_dim3A = vector.shape_cast %rsqrt3A : vector<2048xf32> to vector<2048x1xf32>
    %mul3A = vector.broadcast %broadcast_in_dim3A : vector<2048x1xf32> to vector<2048x48xf32>
    %mul3A_15 = arith.mulf %add3A, %mul3A : vector<2048x48xf32>
    %get3A_16 = arith.constant 0 : index
    %get3A_17 = arith.constant 0 : index
    %get3A_18 = vector.load %arg4[%get3A_16, %get3A_17] : memref<1x48xf32, #tpu.memory_space<vmem>>, vector<1x48xf32>
    %add3A_19 = vector.broadcast %get3A_18 : vector<1x48xf32> to vector<2048x48xf32>
    %add3A_20 = arith.addf %mul3A_15, %add3A_19 : vector<2048x48xf32>
    %iota3A = tpu.iota {dimensions = array<i32: 1>} : vector<2048x48xi32>
    %lt3A = arith.constant 40 : i32
    %lt3A_21 = vector.broadcast %lt3A : i32 to vector<2048x48xi32>
    %lt3A_22 = arith.cmpi slt, %iota3A, %lt3A_21 : vector<2048x48xi32>
    %broadcast_in_dim3A_23 = arith.constant 0xFF800000 : f32
    %broadcast_in_dim3A_24 = vector.broadcast %broadcast_in_dim3A_23 : f32 to vector<2048x48xf32>
    %select_n3A = arith.select %lt3A_22, %add3A_20, %broadcast_in_dim3A_24 : vector<2048x48xi1>, vector<2048x48xf32>
    %reduce_max3A = arith.constant dense<0xFF800000> : vector<2048xf32>
    %reduce_max3A_25 = vector.multi_reduction <maximumf>, %select_n3A, %reduce_max3A [1] : vector<2048x48xf32> to vector<2048xf32>
    %broadcast_in_dim3A_26 = vector.shape_cast %reduce_max3A_25 : vector<2048xf32> to vector<2048x1xf32>
    %sub3A = vector.broadcast %broadcast_in_dim3A_26 : vector<2048x1xf32> to vector<2048x48xf32>
    %sub3A_27 = arith.subf %add3A_20, %sub3A : vector<2048x48xf32>
    %exp3A = math.exp %sub3A_27 : vector<2048x48xf32>
    %jit3A = arith.constant 0.000000e+00 : f32
    %broadcast_in_dim3A_28 = vector.broadcast %jit3A : f32 to vector<2048x48xf32>
    %select_n3A_29 = arith.select %lt3A_22, %exp3A, %broadcast_in_dim3A_28 : vector<2048x48xi1>, vector<2048x48xf32>
    %reduce_sum3A_30 = arith.constant dense<0.000000e+00> : vector<2048xf32>
    %reduce_sum3A_31 = vector.multi_reduction <add>, %select_n3A_29, %reduce_sum3A_30 [1] : vector<2048x48xf32> to vector<2048xf32>
    %broadcast_in_dim3A_32 = vector.shape_cast %reduce_sum3A_31 : vector<2048xf32> to vector<2048x1xf32>
    %log3A = math.log %broadcast_in_dim3A_32 : vector<2048x1xf32>
    %add3A_33 = arith.addf %log3A, %broadcast_in_dim3A_26 : vector<2048x1xf32>
    %sub3A_34 = vector.broadcast %add3A_33 : vector<2048x1xf32> to vector<2048x48xf32>
    %sub3A_35 = arith.subf %add3A_20, %sub3A_34 : vector<2048x48xf32>
    %slice3A = vector.extract_strided_slice %add3A_20 {offsets = [0, 0], sizes = [2048, 40], strides = [1, 1]} : vector<2048x48xf32> to vector<2048x40xf32>
    %swap3A = arith.constant 0 : index
    %swap3A_36 = arith.constant 0 : index
    %swap3A_37 = vector.load %arg6[%swap3A, %swap3A_36] : memref<2048x40xf32, #tpu.memory_space<vmem>>, vector<2048x40xf32>
    tpu.vector_store %arg6[%swap3A, %swap3A_36], %slice3A {strides = array<i32>} : memref<2048x40xf32, #tpu.memory_space<vmem>>, vector<2048x40xf32>,
    %slice3A_38 = vector.extract_strided_slice %sub3A_35 {offsets = [0, 0], sizes = [2048, 40], strides = [1, 1]} : vector<2048x48xf32> to vector<2048x40xf32>
    %swap3A_39 = arith.constant 0 : index
    %swap3A_40 = arith.constant 0 : index
    %swap3A_41 = vector.load %arg5[%swap3A_39, %swap3A_40] : memref<2048x40xf32, #tpu.memory_space<vmem>>, vector<2048x40xf32>
    tpu.vector_store %arg5[%swap3A_39, %swap3A_40], %slice3A_38 {strides = array<i32>} : memref<2048x40xf32, #tpu.memory_space<vmem>>, vector<2048x40xf32>,
    return
  }
  func.func @transform_0(%arg0: i32) -> (i32, i32, i32) {
    %c0_i32 = arith.constant 0 : i32
    %c0_i32_0 = arith.constant 0 : i32
    %c0_i32_1 = arith.constant 0 : i32
    return %c0_i32, %arg0, %c0_i32_0 : i32, i32, i32
  }
  func.func @transform_1(%arg0: i32) -> (i32, i32, i32) {
    %c1_i32 = arith.constant 1 : i32
    %c0_i32 = arith.constant 0 : i32
    %c0_i32_0 = arith.constant 0 : i32
    return %c1_i32, %arg0, %c0_i32 : i32, i32, i32
  }
  func.func @transform_2(%arg0: i32) -> (i32, i32) {
    %c0_i32 = arith.constant 0 : i32
    %c0_i32_0 = arith.constant 0 : i32
    return %c0_i32, %arg0 : i32, i32
  }
  func.func @transform_3(%arg0: i32) -> (i32, i32) {
    %c0_i32 = arith.constant 0 : i32
    %c0_i32_0 = arith.constant 0 : i32
    %c0_i32_1 = arith.constant 0 : i32
    return %c0_i32, %c0_i32_0 : i32, i32
  }
  func.func @transform_4(%arg0: i32) -> (i32, i32) {
    %c0_i32 = arith.constant 0 : i32
    %c0_i32_0 = arith.constant 0 : i32
    return %arg0, %c0_i32 : i32, i32
  }
  func.func @transform_5(%arg0: i32) -> (i32, i32) {
    %c0_i32 = arith.constant 0 : i32
    %c0_i32_0 = arith.constant 0 : i32
    return %arg0, %c0_i32 : i32, i32
  }
}

</mosaic_0001>

<sc_bundles>
// kernel: kernel.11.cloned.1.call-start
scs
__scs_entry_jumppad:
0x0: {  	(pc) =	sbr.rel $0x88, $3  }
0x1: {  	(tag) =	ssettag $0x0;
	lr =	simm.s32 $0x1  }
0x2: {  	[smem:$0x3F9B] =	sst lr;
	_ =	strace $0xD0000000  }
0x3: {  	_ = 	snop  }
0x4: {  	_ = 	snop  }
0x5: {  	_ = 	snop  }
0x6: {  	_ = 	snop  }
0x7: {  	_ = 	snop  }
__scs_overlays_trampoline_lowered:
0x8: {  	[smem:$0x3FAA] =	sst s0  }
0x9: {  	[smem:$0x3FAB] =	sst s1  }
0xa: {  	[smem:$0x3FAC] =	sst s2  }
0xb: {  	[smem:$0x3FAD] =	sst s3  }
0xc: {  	[smem:$0x3FAE] =	sst s4  }
0xd: {  	[smem:$0x3FAF] =	sst s5  }
0xe: {  	[smem:$0x3FB0] =	sst s6  }
0xf: {  	[smem:$0x3FB1] =	sst s7  }
0x10: {  	[smem:$0x3FB2] =	sst s8  }
0x11: {  	[smem:$0x3FB3] =	sst s9;
	s0 =	simm.s32 @!p0 $0x0  }
0x12: {  	s1 =	sld [smem:$0x3F99];
	s0 =	simm.s32 @p0 $0x1  }
0x13: {  	[smem:$0x3FB4] =	sst s0;
	s0 =	simm.s32 @!p1 $0x0  }
0x14: {  	s2 =	sld [smem:$0x3F98];
	s0 =	simm.s32 @p1 $0x1  }
0x15: {  	[smem:$0x3FB5] =	sst s0;
	s0 =	simm.s32 @!p2 $0x0  }
0x16: {  	s3 =	sld [smem:$0x3FDB];
	s0 =	simm.s32 @p2 $0x1  }
0x17: {  	s4 =	simm.s32 $0x1BF5;
	[smem:$0x3FB7] =	sst s0  }
0x18: {  	s0 =	sld [smem:$0x3F9A];
	_ =	swait.ge [sflag:s4], $0x0  }
0x19: {  	s7 =	sld [smem:$0x3F9B]  }
0x1a: {  	s8 =	sadd.s32 $0xFFFFE003, lr  }
0x1b: {  	s9 =	sadd.s32 $0xFFFFFEF7, lr;
	s5 =	simm.s32 $0xFFFFFFFF;
	p2 =	slt.u32 s8, $0xFFFFF086  }
0x1c: {  	p1 =	slt.u32 s9, $0xF7A;
	s5 =	simm.s32 @!p2 $0x0  }
0x1d: {  	s5 =	simm.s32 @p1 $0x1;
	p0 =	seq.s32 s7, s2  }
0x1e: {  	s7 =	smul.u32 @!p0 $0xF7A, s2;
	p2 =	seq.s32 @!p0 s5, $0x0  }
0x1f: {  	s9 =	smul.u32 $0xF7A, s1;
	s8 =	simm.s32 @!p0 $0x1BF5;
	p2 =	por !p2, p0  }
0x20: {  	[sflag:s8] =	ssyncset.s32 @!p0 $0xFFFFF086;
	s6 =	sadd.s32 @!p0 s3, s7;
	s7 =	simm.s32 @!p0 $0x108  }
0x21: {  	s3 =	sadd.s32 s3, s9;
	s6 =	sadd.s32 @!p0 $0x88, s6;
	s7 =	simm.s32 @p2 $0x1082  }
0x22: {  	[simem:s7], [sflag:s8] =	dma.local @!p0 [hbm:s6], $0xF7A  }
0x23: {  	s9 =	sor.u32 $0xD0000000, s2;
	s6 =	simm.s32 $0x108;
	_ =	swait.ge @!p0 [sflag:s8], $0x0  }
0x24: {  	s3 =	sadd.s32 $0x88, s3;
	s6 =	simm.s32 @!p1 $0x1082;
	[sflag:s4] =	ssyncset.s32 $0xFFFFF086  }
0x25: {  	[simem:s6], [sflag:s4] =	dma.local [hbm:s3], $0xF7A  }
0x26: {  	[smem:$0x3F9B] =	sst s1;
	(tag) =	ssettag s2;
	_ =	strace s9  }
0x27: {  	s1 =	sld [smem:$0x3FAB]  }
0x28: {  	s2 =	sld [smem:$0x3FAC]  }
0x29: {  	s4 =	sld [smem:$0x3FAE]  }
0x2a: {  	p0 =	seq.s32 s5, $0x0;
	s5 =	sld [smem:$0x3FAF]  }
0x2b: {  	s6 =	sld [smem:$0x3FB0]  }
0x2c: {  	s7 =	sld [smem:$0x3FB1]  }
0x2d: {  	s3 =	simm.s32 $0x108;
	s8 =	sld [smem:$0x3FB2]  }
0x2e: {  	s3 =	simm.s32 @!p0 $0x1082;
	s9 =	sld [smem:$0x3FB3]  }
0x2f: {  	lr =	sadd.s32 s0, s3;
	s0 =	sld [smem:$0x3FAA]  }
0x30: {  	s3 =	sld [smem:$0x3FAD]  }
0x31: {  	[smem:$0x3FB6] =	sst s10  }
0x32: {  	s10 =	sld [smem:$0x3FB4];
	_ =	sdelay $0x3  }
0x33: {  	p0 =	seq.s32 s10, $0x1;
	s10 =	sld [smem:$0x3FB6];
	_ =	sdelay $0x3  }
0x34: {  	[smem:$0x3FB6] =	sst s10  }
0x35: {  	s10 =	sld [smem:$0x3FB5];
	_ =	sdelay $0x3  }
0x36: {  	p1 =	seq.s32 s10, $0x1;
	s10 =	sld [smem:$0x3FB6];
	_ =	sdelay $0x3  }
0x37: {  	[smem:$0x3FB6] =	sst s10  }
0x38: {  	s10 =	sld [smem:$0x3FB7]  }
0x39: {  	_ = 	snop;
	(pc) =	sbr.ind lr, $3  }
0x3a: {  	_ = 	snop  }
0x3b: {  	_ = 	snop  }
0x3c: {  	p2 =	seq.s32 s10, $0x1;
	s10 =	sld [smem:$0x3FB6]  }
0x3d: {  	_ =	shalt  }
0x3e: {  	_ =	shalt  }
0x3f: {  	_ =	shalt  }
0x40: {  	_ =	shalt  }
0x41: {  	_ =	shalt  }
0x42: {  	_ =	shalt  }
0x43: {  	_ =	shalt  }
0x44: {  	_ =	shalt  }
0x45: {  	_ =	shalt  }
0x46: {  	_ =	shalt  }
0x47: {  	_ =	shalt  }
0x48: {  	_ =	shalt  }
0x49: {  	_ =	shalt  }
0x4a: {  	_ =	shalt  }
0x4b: {  	_ =	shalt  }
0x4c: {  	_ =	shalt  }
0x4d: {  	_ =	shalt  }
0x4e: {  	_ =	shalt  }
0x4f: {  	_ =	shalt  }
0x50: {  	_ =	shalt  }
0x51: {  	_ =	shalt  }
0x52: {  	_ =	shalt  }
0x53: {  	_ =	shalt  }
0x54: {  	_ =	shalt  }
0x55: {  	_ =	shalt  }
0x56: {  	_ =	shalt  }
0x57: {  	_ =	shalt  }
0x58: {  	_ =	shalt  }
0x59: {  	_ =	shalt  }
0x5a: {  	_ =	shalt  }
0x5b: {  	_ =	shalt  }
0x5c: {  	_ =	shalt  }
0x5d: {  	_ =	shalt  }
0x5e: {  	_ =	shalt  }
0x5f: {  	_ =	shalt  }
0x60: {  	_ =	shalt  }
0x61: {  	_ =	shalt  }
0x62: {  	_ =	shalt  }
0x63: {  	_ =	shalt  }
0x64: {  	_ =	shalt  }
0x65: {  	_ =	shalt  }
0x66: {  	_ =	shalt  }
0x67: {  	_ =	shalt  }
0x68: {  	_ =	shalt  }
0x69: {  	_ =	shalt  }
0x6a: {  	_ =	shalt  }
0x6b: {  	_ =	shalt  }
0x6c: {  	_ =	shalt  }
0x6d: {  	_ =	shalt  }
0x6e: {  	_ =	shalt  }
0x6f: {  	_ =	shalt  }
0x70: {  	_ =	shalt  }
0x71: {  	_ =	shalt  }
0x72: {  	_ =	shalt  }
0x73: {  	_ =	shalt  }
0x74: {  	_ =	shalt  }
0x75: {  	_ =	shalt  }
0x76: {  	_ =	shalt  }
0x77: {  	_ =	shalt  }
0x78: {  	_ =	shalt  }
0x79: {  	_ =	shalt  }
0x7a: {  	_ =	shalt  }
0x7b: {  	_ =	shalt  }
0x7c: {  	_ =	shalt  }
0x7d: {  	_ =	shalt  }
0x7e: {  	_ =	shalt  }
0x7f: {  	_ =	shalt  }
0x80: {  	_ =	shalt  }
0x81: {  	_ =	shalt  }
0x82: {  	_ =	shalt  }
0x83: {  	_ =	shalt  }
0x84: {  	_ =	shalt  }
0x85: {  	_ =	shalt  }
0x86: {  	_ =	shalt  }
0x87: {  	_ =	shalt  }
.Lfunc_end0:
.L_simem_size_0:
called_computation.1_lowered:
.L_overlay_start_0:
0x88: {  	s2 =	sld [smem:$0x3FD9]  }
0x89: {  	s3 =	sld [smem:$0x3FFE];
	_ =	sdelay $0x1  }
0x8a: {  	s1 =	srdreg.scid  }
0x8b: {  	s0 =	sand.u32 $0x1, s1  }
0x8c: {  	s14 =	sshll.u32 s0, $0xA;
	s2 =	sadd.s32 s3, s2  }
0x8d: {  	s2 =	sadd.s32 s2, s14  }
0x8e: {  	[smem:$0x3FC2] =	sst s2  }
0x8f: {  	_ = 	snop  }
0x90: {  	s2 =	sld [smem:$0x3FD0];
	_ =	sdelay $0x2  }
0x91: {  	s15 =	simm.s32 $0xA;
	s4 =	simm.s32 $0x10  }
0x92: {  	[smem:s4], [sflag:s15] =	dma.local [hbm:s2], $0x1  }
0x93: {  	_ =	swait.eq [sflag:s15], $0x1  }
0x94: {  	[sflag:s15] =	ssyncset.done $0x0  }
0x95: {  	s16 =	sld [smem:$0x11];
	[sflag:s15] =	ssyncadd.s32 $0xFFFFFFFF  }
0x96: {  	s17 =	sld [smem:$0x12];
	(tm) =	ssettm $0x1  }
0x97: {  	s18 =	sld [smem:$0x3FFB];
	_ =	sdelay $0x3  }
0x98: {  	_ =	strace s18  }
0x99: {  	s4 =	sld [smem:$0x3FFC];
	_ =	sdelay $0x3  }
0x9a: {  	_ =	strace s4  }
0x9b: {  	s4 =	sld [smem:$0x3FFD];
	_ =	sdelay $0x3  }
0x9c: {  	_ =	strace s4  }
0x9d: {  	_ =	strace $0x8FFFFFFF  }
0x9e: {  	s19 =	sld [smem:$0x3FDB];
	_ =	sdelay $0x1  }
0x9f: {  	s5 =	simm.s32 $_scs_section_size  }
0xa0: {  	s6 =	simm.s32 $_size__tile_overlayer_lowered;
	s7 =	simm.s32 $_tile_overlayer_lowered  }
0xa1: {  	s22 =	simm.s32 $0x1BFF;
	s21 =	sshll.u32 s7, $0x1;
	s4 =	sadd.s32 s5, s19  }
0xa2: {  	s8 =	simm.s32 $0x0;
	s20 =	sshll.u32 s6, $0x1;
	s6 =	sadd.s32 s21, s4  }
0xa3: {  	[timem:s8], [sflag:s22] =	dma.local [hbm:s6], s20  }
0xa4: {  	_ =	swait.ge [sflag:s22], s20  }
0xa5: {  	s5 =	ssub.s32 $0x0, s20;
	[sflag:s22] =	ssyncset.done $0x0  }
0xa6: {  	[sflag:s22] =	ssyncadd.s32 s5;
	_ =	sdelay $0x1  }
0xa7: {  	s23 =	simm.s32 $0x1B8B  }
0xa8: {  	_ =	swait.ge [sflag:s23], $0x1  }
0xa9: {  	[sflag:s23] =	ssyncset.done $0x0  }
0xaa: {  	s25 =	simm.s32 $0x1B8E;
	s24 =	sld [smem:$0x3FFE];
	[sflag:s23] =	ssyncadd.s32 $0xFFFFFFFF  }
0xab: {  	s26 =	simm.s32 $execute0_lowered;
	[smem:$0x3FD2] =	sst s25  }
0xac: {  	s6 =	sshll.u32 s26, $0x1;
	_ =	strace $0x80000049;
	[dreg:$0x1] =	wrdreg $0xFFFFFFFF  }
0xad: {  	s28 =	simm.s32 $_size_execute0_lowered;
	s4 =	sadd.s32 s4, s6;
	[dreg:$0x0] =	wrdreg $0x0  }
0xae: {  	s6 =	sshll.u32 s28, $0x1;
	[dreg:$0x2] =	wrdreg s4  }
0xaf: {  	[dreg:$0x3] =	wrdreg s6  }
0xb0: {  	[dreg:$0x4] =	wrdreg $0xC0  }
0xb1: {  	_ =	task [dreg:s8], $0x5FFFF  }
0xb2: {  	[dreg:$0x1] =	wrdreg $0xFFFFFFFF  }
0xb3: {  	[dreg:$0x0] =	wrdreg $0x60  }
0xb4: {  	[dreg:$0x2] =	wrdreg s16  }
0xb5: {  	[dreg:$0x3] =	wrdreg s24  }
0xb6: {  	[dreg:$0x4] =	wrdreg s17  }
0xb7: {  	[dreg:$0x5] =	wrdreg $0x0  }
0xb8: {  	[dreg:$0x6] =	wrdreg $0x9  }
0xb9: {  	_ =	task.clear_ibuf [dreg:s8], $0x7FFFF;
	_ =	strace $0x90000049  }
0xba: {  	s29 =	simm.s32 $0x9;
	_ =	strace $0x8000004B  }
0xbb: {  	_ =	swait.ge [sflag:s29], $0x1  }
0xbc: {  	[sflag:s29] =	ssyncadd.s32 $0xFFFFFFFF  }
0xbd: {  	_ =	strace $0x9000004B  }
0xbe: {  	_ =	sfence  }
0xbf: {  	s30 =	sld [smem:$0x0];
	_ =	sdelay $0x2  }
0xc0: {  	s31 =	sshll.u32 s1, $0xD;
	s1 =	sshrl.u32 s1, $0x2  }
0xc1: {  	s3 =	sand.u32 $0x4000, s31;
	s1 =	sadd.s32 s1, s30  }
0xc2: {  	s0 =	sor.u32 s3, s0;
	s1 =	sshll.u32 s1, $0x11  }
0xc3: {  	s0 =	sor.u32 s1, s0  }
0xc4: {  	s0 =	sadd.s32 $0x8F2B, s0  }
0xc5: {  	[sflag:s0] =	ssyncadd.remote.s32 $0x1  }
0xc6: {  	_ =	sfence.sel $0xFFFF  }
0xc7: {  	[dreg:$0x0] =	wrdreg $0xFFFFFFFF;
	(pc) =	sbr.abs _section_cstart, $3  }
0xc8: {  	[dreg:$0x1] =	wrdreg $0xFFFFFFFF  }
0xc9: {  	_ =	task.clear_ibuf [dreg:s8], $0x2FFFF;
	_ =	strace $0x9FFFFFFF  }
0xca: {  	(tm) =	ssettm $0x7FFFFFFF  }
0xcb: {  	_ =	shalt  }
tec
execute0_lowered:
.L_overlay_start_1:
0x0: {  	(tag) =	ssettag $0x1  }
0x1: {  	s0 =	rddreg [dreg:$0x0]  }
0x2: {  	s1 =	rddreg [dreg:$0x1];
	s2 =	srdreg.scid  }
0x3: {  	s3 =	stileid.u32;
	s4 =	rddreg [dreg:$0x3];
	s5 =	simm.s32 $0x0  }
0x4: {  	s15 =	simm.s32 $0x14000;
	s19 =	simm.s32 $0x1;
	s20 =	simm.s32 $0x5  }
0x5: {  	s21 =	simm.s32 $0x50;
	s28 =	simm.s32 $0xE;
	s29 =	simm.s32 $0xF  }
0x6: {  	s30 =	simm.s32 $0x10;
	s31 =	simm.s32 $0x0;
	s7 =	smul.u32 $0x14000, s3  }
0x7: {  	s2 =	sand.u32 $0x1, s2;
	[smem:$0x7FF] =	sst s5;
	s12 =	smul.u32 $0x50000, s3  }
0x8: {  	s8 =	sshll.u32 s3, $0xE;
	s26 =	sshll.u32 s3, $0x6;
	s6 =	smul.u32 $0x140000, s2  }
0x9: {  	_ =	strace $0x8000004A;
	s9 =	ssub.s32 $0x2, s2;
	s2 =	sshll.u32 s2, $0x12  }
0xa: {  	s23 =	sor.u32 $0x1C11, s26;
	s26 =	simm.s32 $0xD;
	s7 =	sadd.s32 s7, s6  }
0xb: {  	s10 =	sshrl.u32 s9, $0x1;
	s25 =	sshrl.u32 s12, $0x2;
	s7 =	sshrl.u32 s7, $0x3  }
0xc: {  	s6 =	sadd.s32 $0x2E00, s1;
	s1 =	sadd.s32 s7, s1;
	s7 =	sor.u32 s8, s2  }
.Ltmp0:
0xd: {  	s14 =	ssub.s32 s9, s10;
	s8 =	sor.u32 $0x80000, s7;
	(pc) =	sbr.rel .LBB2_1-.Ltmp0, $4  }
0xe: {  	s14 =	smax.u32 s14, $0x1;
	s2 =	sshrl.u32 s7, $0x3;
	s24 =	sshrl.u32 s8, $0x3  }
0xf: {  	s13 =	sadd.s32 $0x22E00, s1;
	s9 =	sadd.s32 s6, s2;
	s2 =	sadd.s32 s6, s24  }
0x10: {  	s11 =	sadd.s32 $0x10, s9;
	[dreg:$0x5] =	wrdreg s2;
	s2 =	sadd.s32 s25, s4  }
0x11: {  	s12 =	sadd.s32 $0x10010, s9;
	s25 =	simm.s32 $0x11;
	s24 =	sshrl.u32 s2, $0x3  }
.LBB2_7:
0x12: {  	_ =	swait.ge [sflag:s26], $0x2800  }
0x13: {  	[sflag:s26] =	ssyncset.done $0x0  }
0x14: {  	[sflag:s26] =	ssyncadd.s32 $0xFFFFD800  }
0x15: {  	_ =	swait.ge [sflag:s28], $0x2800  }
0x16: {  	[sflag:s28] =	ssyncset.done $0x0  }
0x17: {  	[sflag:s28] =	ssyncadd.s32 $0xFFFFD800  }
0x18: {  	_ =	swait.ge [sflag:s29], $0x2800  }
0x19: {  	[sflag:s29] =	ssyncset.done $0x0  }
0x1a: {  	[sflag:s29] =	ssyncadd.s32 $0xFFFFD800  }
0x1b: {  	_ =	swait.ge [sflag:s30], $0x2800  }
0x1c: {  	s31 =	sadd.s32 $0x1, s31;
	[sflag:s30] =	ssyncset.done $0x0  }
0x1d: {  	p0 =	sne.s32 s31, s14;
	[sflag:s30] =	ssyncadd.s32 $0xFFFFD800  }
.Ltmp1:
0x1e: {  	[bflag:$0x0] =	sbarrier.arrive $0xFFFF;
	(pc) =	sbr.rel @!p0 .LBB2_8-.Ltmp1, $4  }
0x1f: {  	[hbm:s13], [sflag:s23] =	dma.local [spmem:s24], $0x2800  }
0x20: {  	_ =	swait.ge [sflag:s25], $0x2800  }
0x21: {  	[sflag:s25] =	ssyncset.done $0x0  }
0x22: {  	[sflag:s25] =	ssyncadd.s32 $0xFFFFD800  }
.LBB2_1:
0x23: {  	[tilespmem:s15], [sflag:$0x1] =	stream.linear.gather [hbm4b:s9+s5], $0x80, $0x38;
	[tilespmem:$0x1E400] =	vst v63  }
0x24: {  	s1 =	rddreg [dreg:$0x5];
	s2 =	simm.s32 $0x14200  }
0x25: {  	[tilespmem:s2], [sflag:$0x5] =	stream.linear.gather [hbm4b:s1+s5], $0x80, $0x38;
	[tilespmem:$0x1E400] =	vst v63  }
0x26: {  	s16 =	simm.s32 $0x14080  }
0x27: {  	[tilespmem:s16], [sflag:$0x2] =	stream.linear.gather [hbm4b:s11+s5], $0x80, $0x38;
	[tilespmem:$0x1E400] =	vst v63  }
0x28: {  	s17 =	simm.s32 $0x14280  }
0x29: {  	[tilespmem:s17], [sflag:$0x6] =	stream.linear.gather [hbm4b:s12+s5], $0x80, $0x38;
	[tilespmem:$0x1E400] =	vst v63  }
0x2a: {  	_ =	swait.ge [sflag:s19], $0x80  }
0x2b: {  	[sflag:s19] =	ssyncset.done $0x0  }
0x2c: {  	[sflag:s19] =	ssyncadd.s32 $0xFFFFFF80  }
0x2d: {  	_ =	swait.ge [sflag:s20], $0x80  }
0x2e: {  	[sflag:s20] =	ssyncset.done $0x0  }
0x2f: {  	s18 =	simm.s32 $0x14400;
	[sflag:s20] =	ssyncadd.s32 $0xFFFFFF80  }
0x30: {  	[tilespmem:s18], [sflag:$0x9] =	stream.indirect.gather [hbm4b:s0+s21], $0x80, s15, s21, $0xb8;
	[tilespmem:$0x1E400] =	vst v63  }
0x31: {  	s22 =	rddreg [dreg:$0x2]  }
0x32: {  	[spmem:s24], [sflag:s23] =	dma.local [hbm:s22], $0x2800  }
.Ltmp2:
0x33: {  	_ =	swait.ge [sflag:s25], $0x2800;
	(pc) =	sbr.rel .LBB2_2-.Ltmp2, $4  }
0x34: {  	[sflag:s25] =	ssyncset.done $0x0  }
0x35: {  	[sflag:s25] =	ssyncadd.s32 $0xFFFFD800  }
0x36: {  	[bflag:$0x0] =	sbarrier.arrive $0xFFFF  }
0x37: {  	s2 =	simm.s32 $0x0  }
.LBB2_3:
0x38: {  	s1 =	sadd.s32 $0x2, s2  }
0x39: {  	p0 =	slt.u32 s2, $0x2;
	s3 =	sand.u32 $0x3, s1;
	s1 =	sshll.u32 s1, $0x7  }
0x3a: {  	s16 =	sadd.s32 @!p0 $0xD, s3;
	s17 =	sand.u32 $0x7C00, s1  }
0x3b: {  	s1 =	sand.u32 $0x380, s1;
	_ =	swait.ge @!p0 [sflag:s16], $0x2800;
	s18 =	sadd.s32 s7, s17  }
0x3c: {  	[sflag:s16] =	ssyncset.done @!p0 $0x0;
	s18 =	sor.u32 s1, s18  }
0x3d: {  	[sflag:s16] =	ssyncadd.s32 @!p0 $0xFFFFD800;
	s16 =	sshll.u32 s3, $0x7;
	s18 =	sshrl.u32 s18, $0x3  }
0x3e: {  	s10 =	sadd.s32 $0x1, s3;
	s22 =	sor.u32 $0x14000, s16;
	s18 =	sadd.s32 s6, s18  }
0x3f: {  	[tilespmem:s22], [sflag:s10] =	stream.linear.gather [hbm4b:s18+s5], $0x80, $0x38;
	[tilespmem:$0x1E400] =	vst v63  }
0x40: {  	s18 =	sadd.s32 s8, s17  }
0x41: {  	s1 =	sor.u32 s1, s18  }
0x42: {  	s1 =	sshrl.u32 s1, $0x3  }
0x43: {  	s3 =	sadd.s32 $0x5, s3;
	s22 =	sor.u32 $0x14200, s16;
	s1 =	sadd.s32 s6, s1  }
0x44: {  	[tilespmem:s22], [sflag:s3] =	stream.linear.gather [hbm4b:s1+s5], $0x80, $0x38;
	[tilespmem:$0x1E400] =	vst v63  }
.LBB2_5:
0x45: {  	s1 =	sadd.s32 $0x1, s2  }
0x46: {  	s3 =	sand.u32 $0x3, s1  }
0x47: {  	s10 =	sadd.s32 $0x1, s3  }
0x48: {  	_ =	swait.ge [sflag:s10], $0x80  }
0x49: {  	[sflag:s10] =	ssyncset.done $0x0  }
0x4a: {  	s18 =	sadd.s32 $0x5, s3;
	s16 =	smul.u32 $0xA000, s3;
	[sflag:s10] =	ssyncadd.s32 $0xFFFFFF80  }
0x4b: {  	s22 =	sshll.u32 s3, $0x7;
	_ =	swait.ge [sflag:s18], $0x80  }
0x4c: {  	s3 =	sadd.s32 $0x9, s3;
	s16 =	sshrl.u32 s16, $0x2;
	[sflag:s18] =	ssyncset.done $0x0  }
0x4d: {  	s10 =	sor.u32 $0x14000, s22;
	s16 =	sadd.s32 $0x14400, s16;
	[sflag:s18] =	ssyncadd.s32 $0xFFFFFF80  }
0x4e: {  	[tilespmem:s16], [sflag:s3] =	stream.indirect.gather [hbm4b:s0+s21], $0x80, s10, s21, $0xb8;
	[tilespmem:$0x1E400] =	vst v63  }
.LBB2_6:
0x4f: {  	s2 =	sand.u32 $0x3, s2  }
0x50: {  	p0 =	slt.u32 s1, $0x7D;
	s3 =	sadd.s32 $0x9, s2;
	s10 =	smul.u32 $0xA000, s2  }
.Ltmp3:
0x51: {  	s22 =	sshll.u32 s2, $0x7;
	_ =	swait.ge [sflag:s3], $0x2800;
	(pc) =	sbr.rel @!p0 .LBB2_7-.Ltmp3, $4  }
0x52: {  	s2 =	sadd.s32 $0xD, s2;
	[sflag:s3] =	ssyncset.done $0x0;
	s18 =	sshrl.u32 s10, $0x2  }
0x53: {  	s10 =	sor.u32 $0x14200, s22;
	[sflag:s3] =	ssyncadd.s32 $0xFFFFD800;
	s3 =	sadd.s32 $0x14400, s18  }
0x54: {  	[spmem:s4] =	stream.indirect.scatter.add.f32 [tilespmem:s3], [sflag:s2], $0x80, s10, s21, $0xb8;
	[tilespmem:$0x1E400] =	vst v63  }
0x55: {  	s2 =	smov.u32 s1  }
.LBB2_2:
0x56: {  	p0 =	sgt.u32 s2, $0x7A  }
.Ltmp4:
0x57: {  	_ = 	snop;
	(pc) =	sbr.rel @!p0 .LBB2_3-.Ltmp4, $1  }
0x58: {  	_ =	sdelay $0x3  }
0x59: {  	p0 =	seq.s32 s2, $0x7C  }
.Ltmp5:
0x5a: {  	_ = 	snop;
	(pc) =	sbr.rel @p0 .LBB2_6-.Ltmp5, $4  }
.Ltmp6:
0x5b: {  	_ = 	snop;
	(pc) =	sbr.rel @!p0 .LBB2_5-.Ltmp6, $4  }
0x5c: {  	_ = 	snop  }
0x5d: {  	_ = 	snop  }
0x5e: {  	s1 =	simm.s32 $0x7D  }
0x5f: {  	_ = 	snop  }
.LBB2_8:
0x60: {  	_ =	sfence.sel $0x180000  }
0x61: {  	[bflag:$0x0] =	sbarrier.arrive $0xFFFF  }
0x62: {  	_ =	strace $0x9000004A  }
0x63: {  	s0 =	stileid.u32;
	[bflag:$0x2] =	sbarrier.arrive $0xFFFF  }
0x64: {  	p0 =	sne.s32 s0, $0x0;
	s0 =	rddreg [dreg:$0x4]  }
0x65: {  	s0 =	sadd.s32 @!p0 $0x100000, s0  }
0x66: {  	[sflag:s0] =	ssyncadd.tile.s32 @!p0 $0x1;
	_ =	shalt  }
.Lfunc_end2:
_tile_overlayer_lowered:
.L_overlay_start_2:
0x67: {  	(tag) =	ssettag $0x2  }
0x68: {  	s0 =	rddreg [dreg:$0x0];
	s2 =	stileid.u32  }
0x69: {  	s1 =	rddreg [dreg:$0x1];
	p0 =	sne.s32 s2, $0x0  }
0x6a: {  	s3 =	rddreg [dreg:$0x2];
	[bflag:$0x3] =	sbarrier.arrive $0xFFFF;
	s2 =	simm.s32 @!p0 $0x1C11  }
0x6b: {  	[timem:s3], [sflag:s2] =	dma.local @!p0 [hbm:s0], s1  }
0x6c: {  	s0 =	simm.s32 @!p0 $0x11  }
0x6d: {  	_ =	swait.ge @!p0 [sflag:s0], s1  }
0x6e: {  	s1 =	ssub.s32 @!p0 $0x0, s1;
	[sflag:s0] =	ssyncset.done @!p0 $0x0  }
0x6f: {  	[sflag:s0] =	ssyncadd.s32 @!p0 s1  }
0x70: {  	[bflag:$0x3] =	sbarrier.arrive $0xFFFF  }
0x71: {  	_ =	shalt  }

// kernel: kernel.14.cloned.1.call-start
scs
__scs_entry_jumppad:
0x0: {  	(pc) =	sbr.rel $0x88, $3  }
0x1: {  	(tag) =	ssettag $0x0;
	lr =	simm.s32 $0x1  }
0x2: {  	[smem:$0x3F9B] =	sst lr;
	_ =	strace $0xD0000000  }
0x3: {  	_ = 	snop  }
0x4: {  	_ = 	snop  }
0x5: {  	_ = 	snop  }
0x6: {  	_ = 	snop  }
0x7: {  	_ = 	snop  }
__scs_overlays_trampoline_lowered:
0x8: {  	[smem:$0x3FAA] =	sst s0  }
0x9: {  	[smem:$0x3FAB] =	sst s1  }
0xa: {  	[smem:$0x3FAC] =	sst s2  }
0xb: {  	[smem:$0x3FAD] =	sst s3  }
0xc: {  	[smem:$0x3FAE] =	sst s4  }
0xd: {  	[smem:$0x3FAF] =	sst s5  }
0xe: {  	[smem:$0x3FB0] =	sst s6  }
0xf: {  	[smem:$0x3FB1] =	sst s7  }
0x10: {  	[smem:$0x3FB2] =	sst s8  }
0x11: {  	[smem:$0x3FB3] =	sst s9;
	s0 =	simm.s32 @!p0 $0x0  }
0x12: {  	s1 =	sld [smem:$0x3F99];
	s0 =	simm.s32 @p0 $0x1  }
0x13: {  	[smem:$0x3FB4] =	sst s0;
	s0 =	simm.s32 @!p1 $0x0  }
0x14: {  	s2 =	sld [smem:$0x3F98];
	s0 =	simm.s32 @p1 $0x1  }
0x15: {  	[smem:$0x3FB5] =	sst s0;
	s0 =	simm.s32 @!p2 $0x0  }
0x16: {  	s3 =	sld [smem:$0x3FDB];
	s0 =	simm.s32 @p2 $0x1  }
0x17: {  	s4 =	simm.s32 $0x1BF5;
	[smem:$0x3FB7] =	sst s0  }
0x18: {  	s0 =	sld [smem:$0x3F9A];
	_ =	swait.ge [sflag:s4], $0x0  }
0x19: {  	s7 =	sld [smem:$0x3F9B]  }
0x1a: {  	s8 =	sadd.s32 $0xFFFFE003, lr  }
0x1b: {  	s9 =	sadd.s32 $0xFFFFFEF7, lr;
	s5 =	simm.s32 $0xFFFFFFFF;
	p2 =	slt.u32 s8, $0xFFFFF086  }
0x1c: {  	p1 =	slt.u32 s9, $0xF7A;
	s5 =	simm.s32 @!p2 $0x0  }
0x1d: {  	s5 =	simm.s32 @p1 $0x1;
	p0 =	seq.s32 s7, s2  }
0x1e: {  	s7 =	smul.u32 @!p0 $0xF7A, s2;
	p2 =	seq.s32 @!p0 s5, $0x0  }
0x1f: {  	s9 =	smul.u32 $0xF7A, s1;
	s8 =	simm.s32 @!p0 $0x1BF5;
	p2 =	por !p2, p0  }
0x20: {  	[sflag:s8] =	ssyncset.s32 @!p0 $0xFFFFF086;
	s6 =	sadd.s32 @!p0 s3, s7;
	s7 =	simm.s32 @!p0 $0x108  }
0x21: {  	s3 =	sadd.s32 s3, s9;
	s6 =	sadd.s32 @!p0 $0x88, s6;
	s7 =	simm.s32 @p2 $0x1082  }
0x22: {  	[simem:s7], [sflag:s8] =	dma.local @!p0 [hbm:s6], $0xF7A  }
0x23: {  	s9 =	sor.u32 $0xD0000000, s2;
	s6 =	simm.s32 $0x108;
	_ =	swait.ge @!p0 [sflag:s8], $0x0  }
0x24: {  	s3 =	sadd.s32 $0x88, s3;
	s6 =	simm.s32 @!p1 $0x1082;
	[sflag:s4] =	ssyncset.s32 $0xFFFFF086  }
0x25: {  	[simem:s6], [sflag:s4] =	dma.local [hbm:s3], $0xF7A  }
0x26: {  	[smem:$0x3F9B] =	sst s1;
	(tag) =	ssettag s2;
	_ =	strace s9  }
0x27: {  	s1 =	sld [smem:$0x3FAB]  }
0x28: {  	s2 =	sld [smem:$0x3FAC]  }
0x29: {  	s4 =	sld [smem:$0x3FAE]  }
0x2a: {  	p0 =	seq.s32 s5, $0x0;
	s5 =	sld [smem:$0x3FAF]  }
0x2b: {  	s6 =	sld [smem:$0x3FB0]  }
0x2c: {  	s7 =	sld [smem:$0x3FB1]  }
0x2d: {  	s3 =	simm.s32 $0x108;
	s8 =	sld [smem:$0x3FB2]  }
0x2e: {  	s3 =	simm.s32 @!p0 $0x1082;
	s9 =	sld [smem:$0x3FB3]  }
0x2f: {  	lr =	sadd.s32 s0, s3;
	s0 =	sld [smem:$0x3FAA]  }
0x30: {  	s3 =	sld [smem:$0x3FAD]  }
0x31: {  	[smem:$0x3FB6] =	sst s10  }
0x32: {  	s10 =	sld [smem:$0x3FB4];
	_ =	sdelay $0x3  }
0x33: {  	p0 =	seq.s32 s10, $0x1;
	s10 =	sld [smem:$0x3FB6];
	_ =	sdelay $0x3  }
0x34: {  	[smem:$0x3FB6] =	sst s10  }
0x35: {  	s10 =	sld [smem:$0x3FB5];
	_ =	sdelay $0x3  }
0x36: {  	p1 =	seq.s32 s10, $0x1;
	s10 =	sld [smem:$0x3FB6];
	_ =	sdelay $0x3  }
0x37: {  	[smem:$0x3FB6] =	sst s10  }
0x38: {  	s10 =	sld [smem:$0x3FB7]  }
0x39: {  	_ = 	snop;
	(pc) =	sbr.ind lr, $3  }
0x3a: {  	_ = 	snop  }
0x3b: {  	_ = 	snop  }
0x3c: {  	p2 =	seq.s32 s10, $0x1;
	s10 =	sld [smem:$0x3FB6]  }
0x3d: {  	_ =	shalt  }
0x3e: {  	_ =	shalt  }
0x3f: {  	_ =	shalt  }
0x40: {  	_ =	shalt  }
0x41: {  	_ =	shalt  }
0x42: {  	_ =	shalt  }
0x43: {  	_ =	shalt  }
0x44: {  	_ =	shalt  }
0x45: {  	_ =	shalt  }
0x46: {  	_ =	shalt  }
0x47: {  	_ =	shalt  }
0x48: {  	_ =	shalt  }
0x49: {  	_ =	shalt  }
0x4a: {  	_ =	shalt  }
0x4b: {  	_ =	shalt  }
0x4c: {  	_ =	shalt  }
0x4d: {  	_ =	shalt  }
0x4e: {  	_ =	shalt  }
0x4f: {  	_ =	shalt  }
0x50: {  	_ =	shalt  }
0x51: {  	_ =	shalt  }
0x52: {  	_ =	shalt  }
0x53: {  	_ =	shalt  }
0x54: {  	_ =	shalt  }
0x55: {  	_ =	shalt  }
0x56: {  	_ =	shalt  }
0x57: {  	_ =	shalt  }
0x58: {  	_ =	shalt  }
0x59: {  	_ =	shalt  }
0x5a: {  	_ =	shalt  }
0x5b: {  	_ =	shalt  }
0x5c: {  	_ =	shalt  }
0x5d: {  	_ =	shalt  }
0x5e: {  	_ =	shalt  }
0x5f: {  	_ =	shalt  }
0x60: {  	_ =	shalt  }
0x61: {  	_ =	shalt  }
0x62: {  	_ =	shalt  }
0x63: {  	_ =	shalt  }
0x64: {  	_ =	shalt  }
0x65: {  	_ =	shalt  }
0x66: {  	_ =	shalt  }
0x67: {  	_ =	shalt  }
0x68: {  	_ =	shalt  }
0x69: {  	_ =	shalt  }
0x6a: {  	_ =	shalt  }
0x6b: {  	_ =	shalt  }
0x6c: {  	_ =	shalt  }
0x6d: {  	_ =	shalt  }
0x6e: {  	_ =	shalt  }
0x6f: {  	_ =	shalt  }
0x70: {  	_ =	shalt  }
0x71: {  	_ =	shalt  }
0x72: {  	_ =	shalt  }
0x73: {  	_ =	shalt  }
0x74: {  	_ =	shalt  }
0x75: {  	_ =	shalt  }
0x76: {  	_ =	shalt  }
0x77: {  	_ =	shalt  }
0x78: {  	_ =	shalt  }
0x79: {  	_ =	shalt  }
0x7a: {  	_ =	shalt  }
0x7b: {  	_ =	shalt  }
0x7c: {  	_ =	shalt  }
0x7d: {  	_ =	shalt  }
0x7e: {  	_ =	shalt  }
0x7f: {  	_ =	shalt  }
0x80: {  	_ =	shalt  }
0x81: {  	_ =	shalt  }
0x82: {  	_ =	shalt  }
0x83: {  	_ =	shalt  }
0x84: {  	_ =	shalt  }
0x85: {  	_ =	shalt  }
0x86: {  	_ =	shalt  }
0x87: {  	_ =	shalt  }
.Lfunc_end0:
.L_simem_size_0:
called_computation.2_lowered:
.L_overlay_start_0:
0x88: {  	s2 =	sld [smem:$0x3FD9]  }
0x89: {  	s3 =	sld [smem:$0x3FFE];
	_ =	sdelay $0x1  }
0x8a: {  	s1 =	srdreg.scid  }
0x8b: {  	s0 =	sand.u32 $0x1, s1  }
0x8c: {  	s14 =	sshll.u32 s0, $0xA;
	s2 =	sadd.s32 s3, s2  }
0x8d: {  	s2 =	sadd.s32 s2, s14  }
0x8e: {  	[smem:$0x3FC2] =	sst s2  }
0x8f: {  	_ = 	snop  }
0x90: {  	s2 =	sld [smem:$0x3FD0];
	_ =	sdelay $0x2  }
0x91: {  	s15 =	simm.s32 $0xA;
	s4 =	simm.s32 $0x10  }
0x92: {  	[smem:s4], [sflag:s15] =	dma.local [hbm:s2], $0x1  }
0x93: {  	_ =	swait.eq [sflag:s15], $0x1  }
0x94: {  	[sflag:s15] =	ssyncset.done $0x0  }
0x95: {  	[sflag:s15] =	ssyncadd.s32 $0xFFFFFFFF  }
0x96: {  	s16 =	sld [smem:$0x12];
	(tm) =	ssettm $0x1  }
0x97: {  	s17 =	sld [smem:$0x3FFB];
	_ =	sdelay $0x3  }
0x98: {  	_ =	strace s17  }
0x99: {  	s3 =	sld [smem:$0x3FFC];
	_ =	sdelay $0x3  }
0x9a: {  	_ =	strace s3  }
0x9b: {  	s3 =	sld [smem:$0x3FFD];
	_ =	sdelay $0x3  }
0x9c: {  	_ =	strace s3  }
0x9d: {  	_ =	strace $0x8FFFFFFF  }
0x9e: {  	s18 =	sld [smem:$0x3FDB];
	_ =	sdelay $0x1  }
0x9f: {  	s19 =	simm.s32 $_scs_section_size  }
0xa0: {  	s5 =	simm.s32 $_size__tile_overlayer_lowered;
	s6 =	simm.s32 $_tile_overlayer_lowered  }
0xa1: {  	s22 =	simm.s32 $0x1BFF;
	s21 =	sshll.u32 s6, $0x1;
	s3 =	sadd.s32 s19, s18  }
0xa2: {  	s7 =	simm.s32 $0x0;
	s20 =	sshll.u32 s5, $0x1;
	s5 =	sadd.s32 s21, s3  }
0xa3: {  	[timem:s7], [sflag:s22] =	dma.local [hbm:s5], s20  }
0xa4: {  	_ =	swait.ge [sflag:s22], s20  }
0xa5: {  	s4 =	ssub.s32 $0x0, s20;
	[sflag:s22] =	ssyncset.done $0x0  }
0xa6: {  	[sflag:s22] =	ssyncadd.s32 s4;
	_ =	sdelay $0x1  }
0xa7: {  	s23 =	simm.s32 $0x1B8B  }
0xa8: {  	_ =	swait.ge [sflag:s23], $0x1  }
0xa9: {  	[sflag:s23] =	ssyncset.done $0x0  }
0xaa: {  	s25 =	simm.s32 $0x1B8E;
	s24 =	sld [smem:$0x3FFE];
	[sflag:s23] =	ssyncadd.s32 $0xFFFFFFFF  }
0xab: {  	s26 =	simm.s32 $execute0_lowered;
	[smem:$0x3FD2] =	sst s25  }
0xac: {  	s5 =	sshll.u32 s26, $0x1;
	_ =	strace $0x8000004C;
	[dreg:$0x1] =	wrdreg $0xFFFFFFFF  }
0xad: {  	s28 =	simm.s32 $_size_execute0_lowered;
	s3 =	sadd.s32 s3, s5;
	[dreg:$0x0] =	wrdreg $0x0  }
0xae: {  	s5 =	sshll.u32 s28, $0x1;
	[dreg:$0x2] =	wrdreg s3  }
0xaf: {  	[dreg:$0x3] =	wrdreg s5  }
0xb0: {  	[dreg:$0x4] =	wrdreg $0xC0  }
0xb1: {  	_ =	task [dreg:s7], $0x5FFFF  }
0xb2: {  	[dreg:$0x1] =	wrdreg $0xFFFFFFFF  }
0xb3: {  	[dreg:$0x0] =	wrdreg $0x60  }
0xb4: {  	[dreg:$0x2] =	wrdreg s24  }
0xb5: {  	[dreg:$0x3] =	wrdreg s16  }
0xb6: {  	[dreg:$0x4] =	wrdreg $0x0  }
0xb7: {  	[dreg:$0x5] =	wrdreg $0x9  }
0xb8: {  	_ =	task.clear_ibuf [dreg:s7], $0x6FFFF;
	_ =	strace $0x9000004C  }
0xb9: {  	s29 =	simm.s32 $0x9;
	_ =	strace $0x8000004E  }
0xba: {  	_ =	swait.ge [sflag:s29], $0x1  }
0xbb: {  	[sflag:s29] =	ssyncadd.s32 $0xFFFFFFFF  }
0xbc: {  	_ =	strace $0x9000004E  }
0xbd: {  	_ =	sfence  }
0xbe: {  	s30 =	sld [smem:$0x0];
	_ =	sdelay $0x2  }
0xbf: {  	s31 =	sshll.u32 s1, $0xD;
	s1 =	sshrl.u32 s1, $0x2  }
0xc0: {  	s3 =	sand.u32 $0x4000, s31;
	s1 =	sadd.s32 s1, s30  }
0xc1: {  	s0 =	sor.u32 s3, s0;
	s1 =	sshll.u32 s1, $0x11  }
0xc2: {  	s0 =	sor.u32 s1, s0  }
0xc3: {  	s0 =	sadd.s32 $0x8F2B, s0  }
0xc4: {  	[sflag:s0] =	ssyncadd.remote.s32 $0x1  }
0xc5: {  	_ =	sfence.sel $0xFFFF  }
0xc6: {  	[dreg:$0x0] =	wrdreg $0xFFFFFFFF;
	(pc) =	sbr.abs _section_cstart, $3  }
0xc7: {  	[dreg:$0x1] =	wrdreg $0xFFFFFFFF  }
0xc8: {  	_ =	task.clear_ibuf [dreg:s7], $0x2FFFF;
	_ =	strace $0x9FFFFFFF  }
0xc9: {  	(tm) =	ssettm $0x7FFFFFFF  }
tec
execute0_lowered:
.L_overlay_start_1:
0x0: {  	(tag) =	ssettag $0x1  }
0x1: {  	s0 =	rddreg [dreg:$0x0]  }
0x2: {  	s3 =	rddreg [dreg:$0x2]  }
0x3: {  	s1 =	srdreg.scid;
	s4 =	stileid.u32;
	s5 =	simm.s32 $0x0  }
0x4: {  	s10 =	simm.s32 $0x7800;
	s11 =	simm.s32 $0x9;
	s12 =	simm.s32 $0x9F10  }
0x5: {  	s13 =	simm.s32 $0x50;
	s14 =	simm.s32 $0xC620;
	s16 =	simm.s32 $0xD520  }
0x6: {  	s21 =	simm.s32 $0x1;
	s28 =	simm.s32 $0x6;
	s29 =	simm.s32 $0x7  }
0x7: {  	s30 =	simm.s32 $0x8;
	s31 =	simm.s32 $0x0;
	s1 =	sand.u32 $0x1, s1  }
0x8: {  	s8 =	smul.u32 $0x7800, s4;
	[smem:$0x7FF] =	sst s5;
	s5 =	sadd.s32 $0x2E00, s0  }
0x9: {  	s26 =	sshll.u32 s4, $0x6;
	s2 =	sshll.u32 s1, $0x4;
	s6 =	smul.u32 $0x78000, s1  }
0xa: {  	_ =	strace $0x8000004D;
	s1 =	ssub.s32 $0x2, s1;
	s2 =	sor.u32 s4, s2  }
0xb: {  	s17 =	sor.u32 $0x1C09, s26;
	s26 =	simm.s32 $0x5;
	s2 =	smul.u32 $0x2710, s2  }
0xc: {  	s7 =	sshrl.u32 s1, $0x1;
	s25 =	sadd.s32 s8, s3;
	s6 =	sadd.s32 s8, s6  }
0xd: {  	s1 =	ssub.s32 s1, s7;
	s18 =	sshrl.u32 s25, $0x3;
	s2 =	sshrl.u32 s2, $0x3  }
0xe: {  	s6 =	sshrl.u32 s6, $0x3;
	s9 =	smax.u32 s1, $0x1;
	s2 =	sadd.s32 s2, s0  }
0xf: {  	s0 =	sadd.s32 s6, s0;
	s24 =	sadd.s32 $0x72E00, s2;
	s7 =	sadd.s32 $0x7CA40, s2  }
0x10: {  	s8 =	sadd.s32 $0x11A00, s0;
	[dreg:$0x4] =	wrdreg s24;
	s24 =	simm.s32 $0x2  }
.LBB2_1:
0x11: {  	s0 =	simm.s32 $0x0;
	s1 =	rddreg [dreg:$0x4]  }
0x12: {  	[tilespmem:s10], [sflag:$0x9] =	stream.linear.gather [hbm4b:s1+s0], $0x2710, $0x38;
	[tilespmem:$0x10220] =	vst v63  }
0x13: {  	_ =	swait.ge [sflag:s11], $0x2710  }
0x14: {  	[sflag:s11] =	ssyncset.done $0x0  }
0x15: {  	[sflag:s11] =	ssyncadd.s32 $0xFFFFD8F0  }
0x16: {  	[tilespmem:s12], [sflag:$0x9] =	stream.linear.gather [hbm4b:s7+s0], $0x2710, $0x38;
	[tilespmem:$0x10220] =	vst v63  }
0x17: {  	_ =	swait.ge [sflag:s11], $0x2710  }
0x18: {  	[sflag:s11] =	ssyncset.done $0x0  }
0x19: {  	[sflag:s11] =	ssyncadd.s32 $0xFFFFD8F0  }
0x1a: {  	[tilespmem:s14], [sflag:$0x1] =	stream.indirect.gather [hbm4b:s5+s13], $0x30, s10, s13, $0xb8;
	[tilespmem:$0x10220] =	vst v63  }
0x1b: {  	s2 =	simm.s32 $0x7850;
	s4 =	rddreg [dreg:$0x1]  }
0x1c: {  	[tilespmem:s16], [sflag:$0x2] =	stream.indirect.gather [hbm4b:s5+s13], $0x30, s2, s13, $0xb8;
	[tilespmem:$0x10220] =	vst v63  }
0x1d: {  	[spmem:s18], [sflag:s17] =	dma.local [hbm:s4], $0xF00  }
0x1e: {  	_ =	swait.ge [sflag:s11], $0xF00  }
0x1f: {  	[sflag:s11] =	ssyncset.done $0x0  }
0x20: {  	[sflag:s11] =	ssyncadd.s32 $0xFFFFF100  }
0x21: {  	s6 =	simm.s32 $0x78A0;
	s15 =	simm.s32 $0xE420;
	[bflag:$0x0] =	sbarrier.arrive $0xFFFF  }
0x22: {  	[tilespmem:s15], [sflag:$0x3] =	stream.indirect.gather [hbm4b:s5+s13], $0x30, s6, s13, $0xb8;
	[tilespmem:$0x10220] =	vst v63  }
0x23: {  	_ =	swait.ge [sflag:s21], $0xF00  }
0x24: {  	s19 =	simm.s32 $0x78F0;
	[sflag:s21] =	ssyncset.done $0x0  }
0x25: {  	s20 =	simm.s32 $0xF320;
	s22 =	simm.s32 $0x9F60;
	[sflag:s21] =	ssyncadd.s32 $0xFFFFF100  }
0x26: {  	[spmem:s3] =	stream.indirect.scatter.add.f32 [tilespmem:s14], [sflag:$0x5], $0x30, s12, s13, $0xb8;
	[tilespmem:$0x10220] =	vst v63  }
0x27: {  	p0 =	por $0x0, $0x0;
	s1 =	simm.s32 $0x7940;
	s0 =	simm.s32 $0x4  }
0x28: {  	[tilespmem:s20], [sflag:$0x4] =	stream.indirect.gather [hbm4b:s5+s13], $0x30, s19, s13, $0xb8;
	[tilespmem:$0x10220] =	vst v63  }
0x29: {  	s0 =	sand.u32 @!p0 $0x3, s0;
	s2 =	simm.s32 $0x2;
	_ =	swait.ge [sflag:s24], $0xF00  }
0x2a: {  	s15 =	sadd.s32 @!p0 $0x5, s0;
	s19 =	smul.u32 @!p0 $0x3C00, s0;
	[sflag:s24] =	ssyncset.done $0x0  }
0x2b: {  	s20 =	sand.u32 $0x3, s2;
	s0 =	sadd.s32 @!p0 $0x1, s0;
	[sflag:s24] =	ssyncadd.s32 $0xFFFFF100  }
0x2c: {  	[spmem:s3] =	stream.indirect.scatter.add.f32 [tilespmem:s16], [sflag:$0x6], $0x30, s22, s13, $0xb8;
	[tilespmem:$0x10220] =	vst v63  }
0x2d: {  	s2 =	sadd.s32 $0x1, s20;
	s23 =	smul.u32 $0x3C00, s20;
	_ =	swait.ge @!p0 [sflag:s15], $0xF00  }
0x2e: {  	s20 =	sadd.s32 $0x5, s20;
	s19 =	sshrl.u32 @!p0 s19, $0x2;
	[sflag:s15] =	ssyncset.done @!p0 $0x0  }
0x2f: {  	s19 =	sadd.s32 @!p0 $0xC620, s19;
	[sflag:s15] =	ssyncadd.s32 @!p0 $0xFFFFF100;
	s15 =	simm.s32 @!p0 $0x50  }
0x30: {  	[tilespmem:s19], [sflag:s0] =	stream.indirect.gather @!p0 [hbm4b:s5+s15], $0x30, s1, s15, $0xb8;
	[tilespmem:$0x10220] =	vst v63  }
0x31: {  	s25 =	sshrl.u32 s23, $0x2;
	s15 =	simm.s32 $0x9FB0;
	_ =	swait.ge [sflag:s2], $0xF00  }
0x32: {  	s0 =	simm.s32 $0x5;
	s1 =	simm.s32 $0xA000;
	[sflag:s2] =	ssyncset.done $0x0  }
0x33: {  	s19 =	sadd.s32 $0xC620, s25;
	[sflag:s2] =	ssyncadd.s32 $0xFFFFF100;
	s2 =	simm.s32 $0x7990  }
.LBB2_2:
0x34: {  	[spmem:s3] =	stream.indirect.scatter.add.f32 [tilespmem:s19], [sflag:s20], $0x30, s15, s13, $0xb8;
	[tilespmem:$0x10220] =	vst v63  }
0x35: {  	s15 =	sadd.s32 $0xFFFFFFFE, s0;
	s19 =	smov.u32 s0;
	s0 =	sadd.s32 $0x1, s0  }
0x36: {  	p1 =	sgt.u32 s15, $0x7A;
	s20 =	sand.u32 $0x3, s15;
	p0 =	sne.s32 s0, $0x7F  }
0x37: {  	s15 =	smov.u32 s1;
	s19 =	sand.u32 @!p1 $0x3, s19;
	s22 =	smul.u32 $0x3C00, s20  }
0x38: {  	s23 =	sadd.s32 @!p1 $0x5, s19;
	s25 =	smul.u32 @!p1 $0x3C00, s19;
	s19 =	sadd.s32 @!p1 $0x1, s19  }
0x39: {  	s4 =	sadd.s32 $0x1, s20;
	s22 =	sshrl.u32 s22, $0x2;
	_ =	swait.ge @!p1 [sflag:s23], $0xF00  }
0x3a: {  	s6 =	simm.s32 @!p1 $0x50;
	s25 =	sshrl.u32 @!p1 s25, $0x2;
	[sflag:s23] =	ssyncset.done @!p1 $0x0  }
.Ltmp0:
0x3b: {  	[sflag:s23] =	ssyncadd.s32 @!p1 $0xFFFFF100;
	s23 =	sadd.s32 @!p1 $0xC620, s25;
	(pc) =	sbr.rel @p0 .LBB2_2-.Ltmp0, $4  }
0x3c: {  	[tilespmem:s23], [sflag:s19] =	stream.indirect.gather @!p1 [hbm4b:s5+s6], $0x30, s2, s6, $0xb8;
	[tilespmem:$0x10220] =	vst v63  }
0x3d: {  	_ =	swait.ge [sflag:s4], $0xF00  }
0x3e: {  	s1 =	sadd.s32 $0x50, s1;
	s2 =	sadd.s32 $0x50, s2;
	[sflag:s4] =	ssyncset.done $0x0  }
0x3f: {  	s20 =	sadd.s32 $0x5, s20;
	s19 =	sadd.s32 $0xC620, s22;
	[sflag:s4] =	ssyncadd.s32 $0xFFFFF100  }
0x40: {  	[spmem:s3] =	stream.indirect.scatter.add.f32 [tilespmem:s19], [sflag:s20], $0x30, s15, s13, $0xb8;
	[tilespmem:$0x10220] =	vst v63  }
0x41: {  	_ =	swait.ge [sflag:s26], $0xF00  }
0x42: {  	[sflag:s26] =	ssyncset.done $0x0  }
0x43: {  	[sflag:s26] =	ssyncadd.s32 $0xFFFFF100  }
0x44: {  	_ =	swait.ge [sflag:s28], $0xF00  }
0x45: {  	[sflag:s28] =	ssyncset.done $0x0  }
0x46: {  	[sflag:s28] =	ssyncadd.s32 $0xFFFFF100  }
0x47: {  	_ =	swait.ge [sflag:s29], $0xF00  }
0x48: {  	[sflag:s29] =	ssyncset.done $0x0  }
0x49: {  	[sflag:s29] =	ssyncadd.s32 $0xFFFFF100  }
0x4a: {  	_ =	swait.ge [sflag:s30], $0xF00  }
0x4b: {  	s31 =	sadd.s32 $0x1, s31;
	[sflag:s30] =	ssyncset.done $0x0  }
0x4c: {  	p0 =	sne.s32 s31, s9;
	[sflag:s30] =	ssyncadd.s32 $0xFFFFF100  }
.Ltmp1:
0x4d: {  	[bflag:$0x0] =	sbarrier.arrive $0xFFFF;
	(pc) =	sbr.rel @p0 .LBB2_1-.Ltmp1, $4  }
0x4e: {  	[hbm:s8], [sflag:s17] =	dma.local [spmem:s18], $0xF00  }
0x4f: {  	_ =	swait.ge [sflag:s11], $0xF00  }
0x50: {  	[sflag:s11] =	ssyncset.done $0x0  }
0x51: {  	[sflag:s11] =	ssyncadd.s32 $0xFFFFF100  }
0x52: {  	_ =	sfence.sel $0x180000  }
0x53: {  	[bflag:$0x0] =	sbarrier.arrive $0xFFFF  }
0x54: {  	_ =	strace $0x9000004D  }
0x55: {  	s0 =	stileid.u32;
	[bflag:$0x2] =	sbarrier.arrive $0xFFFF  }
0x56: {  	p0 =	sne.s32 s0, $0x0;
	s0 =	rddreg [dreg:$0x3]  }
0x57: {  	s0 =	sadd.s32 @!p0 $0x100000, s0  }
0x58: {  	[sflag:s0] =	ssyncadd.tile.s32 @!p0 $0x1;
	_ =	shalt  }
.Lfunc_end2:
_tile_overlayer_lowered:
.L_overlay_start_2:
0x59: {  	(tag) =	ssettag $0x2  }
0x5a: {  	s0 =	rddreg [dreg:$0x0];
	s2 =	stileid.u32  }
0x5b: {  	s1 =	rddreg [dreg:$0x1];
	p0 =	sne.s32 s2, $0x0  }
0x5c: {  	s3 =	rddreg [dreg:$0x2];
	[bflag:$0x3] =	sbarrier.arrive $0xFFFF;
	s2 =	simm.s32 @!p0 $0x1C09  }
0x5d: {  	[timem:s3], [sflag:s2] =	dma.local @!p0 [hbm:s0], s1  }
0x5e: {  	s0 =	simm.s32 @!p0 $0x9  }
0x5f: {  	_ =	swait.ge @!p0 [sflag:s0], s1  }
0x60: {  	s1 =	ssub.s32 @!p0 $0x0, s1;
	[sflag:s0] =	ssyncset.done @!p0 $0x0  }
0x61: {  	[sflag:s0] =	ssyncadd.s32 @!p0 s1  }
0x62: {  	[bflag:$0x3] =	sbarrier.arrive $0xFFFF  }
0x63: {  	_ =	shalt  }

// kernel: kernel.8.cloned.1.call-start
scs
__scs_entry_jumppad:
0x0: {  	(pc) =	sbr.rel $0x88, $3  }
0x1: {  	(tag) =	ssettag $0x0;
	lr =	simm.s32 $0x1  }
0x2: {  	[smem:$0x3F9B] =	sst lr;
	_ =	strace $0xD0000000  }
0x3: {  	_ = 	snop  }
0x4: {  	_ = 	snop  }
0x5: {  	_ = 	snop  }
0x6: {  	_ = 	snop  }
0x7: {  	_ = 	snop  }
__scs_overlays_trampoline_lowered:
0x8: {  	[smem:$0x3FAA] =	sst s0  }
0x9: {  	[smem:$0x3FAB] =	sst s1  }
0xa: {  	[smem:$0x3FAC] =	sst s2  }
0xb: {  	[smem:$0x3FAD] =	sst s3  }
0xc: {  	[smem:$0x3FAE] =	sst s4  }
0xd: {  	[smem:$0x3FAF] =	sst s5  }
0xe: {  	[smem:$0x3FB0] =	sst s6  }
0xf: {  	[smem:$0x3FB1] =	sst s7  }
0x10: {  	[smem:$0x3FB2] =	sst s8  }
0x11: {  	[smem:$0x3FB3] =	sst s9;
	s0 =	simm.s32 @!p0 $0x0  }
0x12: {  	s1 =	sld [smem:$0x3F99];
	s0 =	simm.s32 @p0 $0x1  }
0x13: {  	[smem:$0x3FB4] =	sst s0;
	s0 =	simm.s32 @!p1 $0x0  }
0x14: {  	s2 =	sld [smem:$0x3F98];
	s0 =	simm.s32 @p1 $0x1  }
0x15: {  	[smem:$0x3FB5] =	sst s0;
	s0 =	simm.s32 @!p2 $0x0  }
0x16: {  	s3 =	sld [smem:$0x3FDB];
	s0 =	simm.s32 @p2 $0x1  }
0x17: {  	s4 =	simm.s32 $0x1BF5;
	[smem:$0x3FB7] =	sst s0  }
0x18: {  	s0 =	sld [smem:$0x3F9A];
	_ =	swait.ge [sflag:s4], $0x0  }
0x19: {  	s7 =	sld [smem:$0x3F9B]  }
0x1a: {  	s8 =	sadd.s32 $0xFFFFE003, lr  }
0x1b: {  	s9 =	sadd.s32 $0xFFFFFEF7, lr;
	s5 =	simm.s32 $0xFFFFFFFF;
	p2 =	slt.u32 s8, $0xFFFFF086  }
0x1c: {  	p1 =	slt.u32 s9, $0xF7A;
	s5 =	simm.s32 @!p2 $0x0  }
0x1d: {  	s5 =	simm.s32 @p1 $0x1;
	p0 =	seq.s32 s7, s2  }
0x1e: {  	s7 =	smul.u32 @!p0 $0xF7A, s2;
	p2 =	seq.s32 @!p0 s5, $0x0  }
0x1f: {  	s9 =	smul.u32 $0xF7A, s1;
	s8 =	simm.s32 @!p0 $0x1BF5;
	p2 =	por !p2, p0  }
0x20: {  	[sflag:s8] =	ssyncset.s32 @!p0 $0xFFFFF086;
	s6 =	sadd.s32 @!p0 s3, s7;
	s7 =	simm.s32 @!p0 $0x108  }
0x21: {  	s3 =	sadd.s32 s3, s9;
	s6 =	sadd.s32 @!p0 $0x88, s6;
	s7 =	simm.s32 @p2 $0x1082  }
0x22: {  	[simem:s7], [sflag:s8] =	dma.local @!p0 [hbm:s6], $0xF7A  }
0x23: {  	s9 =	sor.u32 $0xD0000000, s2;
	s6 =	simm.s32 $0x108;
	_ =	swait.ge @!p0 [sflag:s8], $0x0  }
0x24: {  	s3 =	sadd.s32 $0x88, s3;
	s6 =	simm.s32 @!p1 $0x1082;
	[sflag:s4] =	ssyncset.s32 $0xFFFFF086  }
0x25: {  	[simem:s6], [sflag:s4] =	dma.local [hbm:s3], $0xF7A  }
0x26: {  	[smem:$0x3F9B] =	sst s1;
	(tag) =	ssettag s2;
	_ =	strace s9  }
0x27: {  	s1 =	sld [smem:$0x3FAB]  }
0x28: {  	s2 =	sld [smem:$0x3FAC]  }
0x29: {  	s4 =	sld [smem:$0x3FAE]  }
0x2a: {  	p0 =	seq.s32 s5, $0x0;
	s5 =	sld [smem:$0x3FAF]  }
0x2b: {  	s6 =	sld [smem:$0x3FB0]  }
0x2c: {  	s7 =	sld [smem:$0x3FB1]  }
0x2d: {  	s3 =	simm.s32 $0x108;
	s8 =	sld [smem:$0x3FB2]  }
0x2e: {  	s3 =	simm.s32 @!p0 $0x1082;
	s9 =	sld [smem:$0x3FB3]  }
0x2f: {  	lr =	sadd.s32 s0, s3;
	s0 =	sld [smem:$0x3FAA]  }
0x30: {  	s3 =	sld [smem:$0x3FAD]  }
0x31: {  	[smem:$0x3FB6] =	sst s10  }
0x32: {  	s10 =	sld [smem:$0x3FB4];
	_ =	sdelay $0x3  }
0x33: {  	p0 =	seq.s32 s10, $0x1;
	s10 =	sld [smem:$0x3FB6];
	_ =	sdelay $0x3  }
0x34: {  	[smem:$0x3FB6] =	sst s10  }
0x35: {  	s10 =	sld [smem:$0x3FB5];
	_ =	sdelay $0x3  }
0x36: {  	p1 =	seq.s32 s10, $0x1;
	s10 =	sld [smem:$0x3FB6];
	_ =	sdelay $0x3  }
0x37: {  	[smem:$0x3FB6] =	sst s10  }
0x38: {  	s10 =	sld [smem:$0x3FB7]  }
0x39: {  	_ = 	snop;
	(pc) =	sbr.ind lr, $3  }
0x3a: {  	_ = 	snop  }
0x3b: {  	_ = 	snop  }
0x3c: {  	p2 =	seq.s32 s10, $0x1;
	s10 =	sld [smem:$0x3FB6]  }
0x3d: {  	_ =	shalt  }
0x3e: {  	_ =	shalt  }
0x3f: {  	_ =	shalt  }
0x40: {  	_ =	shalt  }
0x41: {  	_ =	shalt  }
0x42: {  	_ =	shalt  }
0x43: {  	_ =	shalt  }
0x44: {  	_ =	shalt  }
0x45: {  	_ =	shalt  }
0x46: {  	_ =	shalt  }
0x47: {  	_ =	shalt  }
0x48: {  	_ =	shalt  }
0x49: {  	_ =	shalt  }
0x4a: {  	_ =	shalt  }
0x4b: {  	_ =	shalt  }
0x4c: {  	_ =	shalt  }
0x4d: {  	_ =	shalt  }
0x4e: {  	_ =	shalt  }
0x4f: {  	_ =	shalt  }
0x50: {  	_ =	shalt  }
0x51: {  	_ =	shalt  }
0x52: {  	_ =	shalt  }
0x53: {  	_ =	shalt  }
0x54: {  	_ =	shalt  }
0x55: {  	_ =	shalt  }
0x56: {  	_ =	shalt  }
0x57: {  	_ =	shalt  }
0x58: {  	_ =	shalt  }
0x59: {  	_ =	shalt  }
0x5a: {  	_ =	shalt  }
0x5b: {  	_ =	shalt  }
0x5c: {  	_ =	shalt  }
0x5d: {  	_ =	shalt  }
0x5e: {  	_ =	shalt  }
0x5f: {  	_ =	shalt  }
0x60: {  	_ =	shalt  }
0x61: {  	_ =	shalt  }
0x62: {  	_ =	shalt  }
0x63: {  	_ =	shalt  }
0x64: {  	_ =	shalt  }
0x65: {  	_ =	shalt  }
0x66: {  	_ =	shalt  }
0x67: {  	_ =	shalt  }
0x68: {  	_ =	shalt  }
0x69: {  	_ =	shalt  }
0x6a: {  	_ =	shalt  }
0x6b: {  	_ =	shalt  }
0x6c: {  	_ =	shalt  }
0x6d: {  	_ =	shalt  }
0x6e: {  	_ =	shalt  }
0x6f: {  	_ =	shalt  }
0x70: {  	_ =	shalt  }
0x71: {  	_ =	shalt  }
0x72: {  	_ =	shalt  }
0x73: {  	_ =	shalt  }
0x74: {  	_ =	shalt  }
0x75: {  	_ =	shalt  }
0x76: {  	_ =	shalt  }
0x77: {  	_ =	shalt  }
0x78: {  	_ =	shalt  }
0x79: {  	_ =	shalt  }
0x7a: {  	_ =	shalt  }
0x7b: {  	_ =	shalt  }
0x7c: {  	_ =	shalt  }
0x7d: {  	_ =	shalt  }
0x7e: {  	_ =	shalt  }
0x7f: {  	_ =	shalt  }
0x80: {  	_ =	shalt  }
0x81: {  	_ =	shalt  }
0x82: {  	_ =	shalt  }
0x83: {  	_ =	shalt  }
0x84: {  	_ =	shalt  }
0x85: {  	_ =	shalt  }
0x86: {  	_ =	shalt  }
0x87: {  	_ =	shalt  }
.Lfunc_end0:
.L_simem_size_0:
called_computation_lowered:
.L_overlay_start_0:
0x88: {  	s2 =	sld [smem:$0x3FD9]  }
0x89: {  	s3 =	sld [smem:$0x3FFE];
	_ =	sdelay $0x1  }
0x8a: {  	s1 =	srdreg.scid  }
0x8b: {  	s0 =	sand.u32 $0x1, s1  }
0x8c: {  	s14 =	sshll.u32 s0, $0xA;
	s2 =	sadd.s32 s3, s2  }
0x8d: {  	s2 =	sadd.s32 s2, s14  }
0x8e: {  	[smem:$0x3FC2] =	sst s2  }
0x8f: {  	_ = 	snop  }
0x90: {  	s2 =	sld [smem:$0x3FD0];
	_ =	sdelay $0x2  }
0x91: {  	s15 =	simm.s32 $0xA;
	s4 =	simm.s32 $0x10  }
0x92: {  	[smem:s4], [sflag:s15] =	dma.local [hbm:s2], $0x1  }
0x93: {  	_ =	swait.eq [sflag:s15], $0x1  }
0x94: {  	s16 =	sld [smem:$0x10];
	[sflag:s15] =	ssyncset.done $0x0  }
0x95: {  	s17 =	sld [smem:$0x11];
	[sflag:s15] =	ssyncadd.s32 $0xFFFFFFFF  }
0x96: {  	s18 =	sld [smem:$0x12];
	(tm) =	ssettm $0x1  }
0x97: {  	s5 =	sld [smem:$0x3FFB];
	_ =	sdelay $0x3  }
0x98: {  	_ =	strace s5  }
0x99: {  	s5 =	sld [smem:$0x3FFC];
	_ =	sdelay $0x3  }
0x9a: {  	_ =	strace s5  }
0x9b: {  	s5 =	sld [smem:$0x3FFD];
	_ =	sdelay $0x3  }
0x9c: {  	_ =	strace s5  }
0x9d: {  	_ =	strace $0x8FFFFFFF  }
0x9e: {  	s19 =	sld [smem:$0x3FDB];
	_ =	sdelay $0x1  }
0x9f: {  	s6 =	simm.s32 $_scs_section_size  }
0xa0: {  	s7 =	simm.s32 $_size__tile_overlayer_lowered;
	s8 =	simm.s32 $_tile_overlayer_lowered  }
0xa1: {  	s22 =	simm.s32 $0x1BFF;
	s21 =	sshll.u32 s8, $0x1;
	s5 =	sadd.s32 s6, s19  }
0xa2: {  	s9 =	simm.s32 $0x0;
	s20 =	sshll.u32 s7, $0x1;
	s7 =	sadd.s32 s21, s5  }
0xa3: {  	[timem:s9], [sflag:s22] =	dma.local [hbm:s7], s20  }
0xa4: {  	_ =	swait.ge [sflag:s22], s20  }
0xa5: {  	s6 =	ssub.s32 $0x0, s20;
	[sflag:s22] =	ssyncset.done $0x0  }
0xa6: {  	[sflag:s22] =	ssyncadd.s32 s6;
	_ =	sdelay $0x1  }
0xa7: {  	s23 =	simm.s32 $0x1B8B  }
0xa8: {  	_ =	swait.ge [sflag:s23], $0x1  }
0xa9: {  	[sflag:s23] =	ssyncset.done $0x0  }
0xaa: {  	s25 =	simm.s32 $0x1B8E;
	s24 =	sld [smem:$0x3FFE];
	[sflag:s23] =	ssyncadd.s32 $0xFFFFFFFF  }
0xab: {  	s26 =	simm.s32 $execute0_lowered;
	[smem:$0x3FD2] =	sst s25  }
0xac: {  	s7 =	sshll.u32 s26, $0x1;
	_ =	strace $0x80000046;
	[dreg:$0x1] =	wrdreg $0xFFFFFFFF  }
0xad: {  	s28 =	simm.s32 $_size_execute0_lowered;
	s5 =	sadd.s32 s5, s7;
	[dreg:$0x0] =	wrdreg $0x0  }
0xae: {  	s7 =	sshll.u32 s28, $0x1;
	[dreg:$0x2] =	wrdreg s5  }
0xaf: {  	[dreg:$0x3] =	wrdreg s7  }
0xb0: {  	[dreg:$0x4] =	wrdreg $0xC0  }
0xb1: {  	_ =	task [dreg:s9], $0x5FFFF  }
0xb2: {  	[dreg:$0x1] =	wrdreg $0xFFFFFFFF  }
0xb3: {  	[dreg:$0x0] =	wrdreg $0x60  }
0xb4: {  	[dreg:$0x2] =	wrdreg s24  }
0xb5: {  	[dreg:$0x3] =	wrdreg s17  }
0xb6: {  	[dreg:$0x4] =	wrdreg s18  }
0xb7: {  	[dreg:$0x5] =	wrdreg s16  }
0xb8: {  	[dreg:$0x6] =	wrdreg $0x9  }
0xb9: {  	_ =	task.clear_ibuf [dreg:s9], $0x7FFFF;
	_ =	strace $0x90000046  }
0xba: {  	s29 =	simm.s32 $0x9;
	_ =	strace $0x80000048  }
0xbb: {  	_ =	swait.ge [sflag:s29], $0x1  }
0xbc: {  	[sflag:s29] =	ssyncadd.s32 $0xFFFFFFFF  }
0xbd: {  	_ =	strace $0x90000048  }
0xbe: {  	_ =	sfence  }
0xbf: {  	s30 =	sld [smem:$0x0];
	_ =	sdelay $0x2  }
0xc0: {  	s31 =	sshll.u32 s1, $0xD;
	s1 =	sshrl.u32 s1, $0x2  }
0xc1: {  	s3 =	sand.u32 $0x4000, s31;
	s1 =	sadd.s32 s1, s30  }
0xc2: {  	s0 =	sor.u32 s3, s0;
	s1 =	sshll.u32 s1, $0x11  }
0xc3: {  	s0 =	sor.u32 s1, s0  }
0xc4: {  	s0 =	sadd.s32 $0x8F2B, s0  }
0xc5: {  	[sflag:s0] =	ssyncadd.remote.s32 $0x1  }
0xc6: {  	_ =	sfence.sel $0xFFFF  }
0xc7: {  	[dreg:$0x0] =	wrdreg $0xFFFFFFFF;
	(pc) =	sbr.abs _section_cstart, $3  }
0xc8: {  	[dreg:$0x1] =	wrdreg $0xFFFFFFFF  }
0xc9: {  	_ =	task.clear_ibuf [dreg:s9], $0x2FFFF;
	_ =	strace $0x9FFFFFFF  }
0xca: {  	(tm) =	ssettm $0x7FFFFFFF  }
0xcb: {  	_ =	shalt  }
tec
execute0_lowered:
.L_overlay_start_1:
0x0: {  	(tag) =	ssettag $0x1  }
0x1: {  	s4 =	rddreg [dreg:$0x0]  }
0x2: {  	s1 =	rddreg [dreg:$0x1]  }
0x3: {  	s6 =	rddreg [dreg:$0x2]  }
0x4: {  	s0 =	srdreg.scid;
	s7 =	rddreg [dreg:$0x3];
	s3 =	simm.s32 $0x0  }
0x5: {  	s12 =	simm.s32 $0x9000;
	s13 =	simm.s32 $0x80;
	s14 =	simm.s32 $0x400  }
0x6: {  	s15 =	simm.s32 $0x0;
	s5 =	sand.u32 $0x1, s0;
	s0 =	stileid.u32  }
0x7: {  	[smem:$0x7FF] =	sst s3;
	s2 =	sshll.u32 s5, $0x4;
	s10 =	sshll.u32 s0, $0x7  }
0x8: {  	s5 =	ssub.s32 $0x2, s5;
	s8 =	sor.u32 s0, s2;
	s2 =	rddreg [dreg:$0x4]  }
0x9: {  	_ =	strace $0x80000047;
	s10 =	sand.u32 $0x380, s10;
	s9 =	sshrl.u32 s8, $0x3  }
0xa: {  	s11 =	sshrl.u32 s5, $0x1;
	s8 =	sshll.u32 s8, $0xB;
	s9 =	smul.u32 $0x14000, s9  }
0xb: {  	s31 =	ssub.s32 s5, s11;
	s11 =	simm.s32 $0x5000;
	s8 =	sadd.s32 s8, s4  }
0xc: {  	s4 =	sadd.s32 $0x2E00, s8;
	s5 =	sadd.s32 $0x12E00, s8;
	s9 =	sor.u32 s10, s9  }
0xd: {  	s8 =	smax.u32 s31, $0x1;
	s10 =	simm.s32 $0x2800;
	s9 =	sshrl.u32 s9, $0x3  }
0xe: {  	v0 =	vimm.f32 $1.000000000e+00;
	s6 =	sadd.s32 s6, s9;
	s7 =	sadd.s32 s7, s9;
	s9 =	simm.s32 $0x1  }
.LBB2_1:
0xf: {  	[tilespmem:s3], [sflag:$0x1] =	stream.linear.gather [hbm4b:s1+s3], $0x2800, $0x38;
	[tilespmem:$0xD000] =	vst v63  }
0x10: {  	_ =	swait.ge [sflag:s9], $0x2800  }
0x11: {  	[sflag:s9] =	ssyncset.done $0x0  }
0x12: {  	[sflag:s9] =	ssyncadd.s32 $0xFFFFD800  }
0x13: {  	[tilespmem:s10], [sflag:$0x1] =	stream.linear.gather [hbm4b:s1+s3], $0x2800, $0x38;
	[tilespmem:$0xD000] =	vst v63  }
0x14: {  	_ =	swait.ge [sflag:s9], $0x2800  }
0x15: {  	[sflag:s9] =	ssyncset.done $0x0  }
0x16: {  	[sflag:s9] =	ssyncadd.s32 $0xFFFFD800  }
0x17: {  	[tilespmem:s11], [sflag:$0x1] =	stream.linear.gather [hbm4b:s4+s3], $0x3E80, $0x38;
	[tilespmem:$0xD000] =	vst v63  }
0x18: {  	_ =	swait.ge [sflag:s9], $0x3E80  }
0x19: {  	[sflag:s9] =	ssyncset.done $0x0  }
0x1a: {  	[sflag:s9] =	ssyncadd.s32 $0xFFFFC180  }
0x1b: {  	[tilespmem:s12], [sflag:$0x1] =	stream.linear.gather [hbm4b:s5+s3], $0x3E80, $0x38;
	[tilespmem:$0xD000] =	vst v63  }
0x1c: {  	_ =	swait.ge [sflag:s9], $0x3E80  }
0x1d: {  	[sflag:s9] =	ssyncset.done $0x0  }
0x1e: {  	s16 =	simm.s32 $0x0;
	[sflag:s9] =	ssyncadd.s32 $0xFFFFC180  }
.LBB2_2:
0x1f: {  	s17 =	sshra.s32 s16, $0x2  }
0x20: {  	v1 =	vld [tilespmem:s17+$0x5000]  }
0x21: {  	v2 =	vld [tilespmem:s17+$0x9000];
	_ =	sdelay $0x6  }
0x22: {  	[tilespmem:v1+s3+$0x0] =	vst.idx.add.f32.msk $0xffff, v0  }
0x23: {  	[tilespmem:v2+s10+$0x0] =	vst.idx.add.f32.msk $0xffff, v0  }
0x24: {  	v1 =	vld [tilespmem:s17+$0x5010]  }
0x25: {  	v2 =	vld [tilespmem:s17+$0x9010];
	_ =	sdelay $0x6  }
0x26: {  	[tilespmem:v1+s3+$0x0] =	vst.idx.add.f32.msk $0xffff, v0  }
0x27: {  	[tilespmem:v2+s10+$0x0] =	vst.idx.add.f32.msk $0xffff, v0  }
0x28: {  	v1 =	vld [tilespmem:s17+$0x5020]  }
0x29: {  	v2 =	vld [tilespmem:s17+$0x9020];
	_ =	sdelay $0x6  }
0x2a: {  	[tilespmem:v1+s3+$0x0] =	vst.idx.add.f32.msk $0xffff, v0  }
0x2b: {  	[tilespmem:v2+s10+$0x0] =	vst.idx.add.f32.msk $0xffff, v0  }
0x2c: {  	v1 =	vld [tilespmem:s17+$0x5030]  }
0x2d: {  	v2 =	vld [tilespmem:s17+$0x9030];
	_ =	sdelay $0x6  }
0x2e: {  	[tilespmem:v1+s3+$0x0] =	vst.idx.add.f32.msk $0xffff, v0  }
0x2f: {  	[tilespmem:v2+s10+$0x0] =	vst.idx.add.f32.msk $0xffff, v0  }
0x30: {  	v1 =	vld [tilespmem:s17+$0x5040]  }
0x31: {  	v2 =	vld [tilespmem:s17+$0x9040];
	_ =	sdelay $0x2  }
0x32: {  	p0 =	sne.s32 s16, $0xF800  }
.Ltmp0:
0x33: {  	_ = 	snop;
	(pc) =	sbr.rel @p0 .LBB2_2-.Ltmp0, $3  }
0x34: {  	_ =	sdelay $0x1  }
0x35: {  	[tilespmem:v1+s3+$0x0] =	vst.idx.add.f32.msk $0xffff, v0  }
0x36: {  	s16 =	sadd.s32 $0x200, s16;
	[tilespmem:v2+s10+$0x0] =	vst.idx.add.f32.msk $0xffff, v0  }
0x37: {  	[hbm4b:s6+s13] =	stream.strided.scatter [tilespmem:s3], [sflag:$0x1], $0x2800, s14, s13, $0x38;
	[tilespmem:$0xD000] =	vst v63  }
0x38: {  	s15 =	sadd.s32 $0x1, s15;
	_ =	swait.ge [sflag:s9], $0x2800  }
0x39: {  	p0 =	sne.s32 s15, s8;
	[sflag:s9] =	ssyncset.done $0x0  }
.Ltmp1:
0x3a: {  	[sflag:s9] =	ssyncadd.s32 $0xFFFFD800;
	(pc) =	sbr.rel @p0 .LBB2_1-.Ltmp1, $4  }
0x3b: {  	[hbm4b:s7+s13] =	stream.strided.scatter [tilespmem:s10], [sflag:$0x1], $0x2800, s14, s13, $0x38;
	[tilespmem:$0xD000] =	vst v63  }
0x3c: {  	_ =	swait.ge [sflag:s9], $0x2800  }
0x3d: {  	[sflag:s9] =	ssyncset.done $0x0  }
0x3e: {  	[sflag:s9] =	ssyncadd.s32 $0xFFFFD800  }
0x3f: {  	_ =	sfence.sel $0x180000  }
0x40: {  	[bflag:$0x0] =	sbarrier.arrive $0xFFFF  }
0x41: {  	p0 =	sne.s32 s0, $0x0;
	_ =	strace $0x90000047  }
0x42: {  	s0 =	sadd.s32 @!p0 $0x100000, s2;
	[bflag:$0x2] =	sbarrier.arrive $0xFFFF  }
0x43: {  	[sflag:s0] =	ssyncadd.tile.s32 @!p0 $0x1;
	_ =	shalt  }
.Lfunc_end2:
_tile_overlayer_lowered:
.L_overlay_start_2:
0x44: {  	(tag) =	ssettag $0x2  }
0x45: {  	s0 =	rddreg [dreg:$0x0];
	s2 =	stileid.u32  }
0x46: {  	s1 =	rddreg [dreg:$0x1];
	p0 =	sne.s32 s2, $0x0  }
0x47: {  	s3 =	rddreg [dreg:$0x2];
	[bflag:$0x3] =	sbarrier.arrive $0xFFFF;
	s2 =	simm.s32 @!p0 $0x1C01  }
0x48: {  	[timem:s3], [sflag:s2] =	dma.local @!p0 [hbm:s0], s1  }
0x49: {  	s0 =	simm.s32 @!p0 $0x1  }
0x4a: {  	_ =	swait.ge @!p0 [sflag:s0], s1  }
0x4b: {  	s1 =	ssub.s32 @!p0 $0x0, s1;
	[sflag:s0] =	ssyncset.done @!p0 $0x0  }
0x4c: {  	[sflag:s0] =	ssyncadd.s32 @!p0 s1  }
0x4d: {  	[bflag:$0x3] =	sbarrier.arrive $0xFFFF  }
0x4e: {  	_ =	shalt  }

</sc_bundles>
